<compile_context>
chip_gen: v7x
topology: tpu7x:2x2x1
jax: 0.10.2.dev20260603
libtpu: 0.0.44.dev20260713+nightly
codegen_flags: <defaults>
</compile_context>

<pallas_src>
import functools

import jax
import jax.numpy as jnp
from jax import lax
from jax.experimental import pallas as pl
from jax.experimental.pallas import tpu as pltpu
from jax.experimental.pallas import tpu_sc as plsc

N = 10000
E = 160000
NFC = 32
EFC = 16

NC = 2
NS = 16
NW = NC * NS

CH = 624
MAIN_CHUNKS = 8
PER_W = MAIN_CHUNKS * CH
TAIL_BASE = PER_W * NW
CHT = 128
TAIL_WORKERS = (E - TAIL_BASE) // CHT

B_E = 3200


def _worker_id():
    return lax.axis_index("s") * NC + lax.axis_index("c")


def _make_gather():
    mesh = plsc.VectorSubcoreMesh(core_axis_name="c", subcore_axis_name="s")

    @functools.partial(
        pl.kernel,
        mesh=mesh,
        out_type=jax.ShapeDtypeStruct((E, NFC), jnp.float32),
        scratch_types=[
            pltpu.VMEM((CH,), jnp.int32),
            pltpu.VMEM((CH,), jnp.int32),
            pltpu.VMEM((CH, NFC), jnp.float32),
            pltpu.VMEM((CH, NFC), jnp.float32),
            pltpu.VMEM((CHT,), jnp.int32),
            pltpu.VMEM((CHT, NFC), jnp.float32),
            pltpu.SemaphoreType.DMA,
            pltpu.SemaphoreType.DMA,
            pltpu.SemaphoreType.DMA,
            pltpu.SemaphoreType.DMA,
        ],
        compiler_params=pltpu.CompilerParams(use_tc_tiling_on_sc=False),
    )
    def gather_k(table_hbm, idx_hbm, out_hbm,
                 idx0, idx1, rows0, rows1, idxt, rowst,
                 semi0, semi1, semg0, semg1):
        wid = _worker_id()
        base = wid * PER_W
        idxb = [idx0, idx1]
        rowsb = [rows0, rows1]
        semi = [semi0, semi1]
        semg = [semg0, semg1]

        ci = [None] * MAIN_CHUNKS
        cg = [None] * MAIN_CHUNKS
        ci[0] = pltpu.async_copy(idx_hbm.at[pl.ds(base, CH)], idxb[0], semi[0])
        for i in range(MAIN_CHUNKS):
            b = i % 2
            ci[i].wait()
            cg[i] = pltpu.async_copy(table_hbm.at[idxb[b]], rowsb[b], semg[b])
            if i + 1 < MAIN_CHUNKS:
                ci[i + 1] = pltpu.async_copy(
                    idx_hbm.at[pl.ds(base + (i + 1) * CH, CH)],
                    idxb[(i + 1) % 2], semi[(i + 1) % 2])
            if i >= 1:
                cg[i - 1].wait()
                pltpu.sync_copy(rowsb[(i - 1) % 2],
                                out_hbm.at[pl.ds(base + (i - 1) * CH, CH)])
        cg[MAIN_CHUNKS - 1].wait()
        last = MAIN_CHUNKS - 1
        pltpu.sync_copy(rowsb[last % 2],
                        out_hbm.at[pl.ds(base + last * CH, CH)])

        @pl.when(wid < TAIL_WORKERS)
        def _():
            toff = TAIL_BASE + wid * CHT
            pltpu.sync_copy(idx_hbm.at[pl.ds(toff, CHT)], idxt)
            pltpu.async_copy(table_hbm.at[idxt], rowst, semg0).wait()
            pltpu.sync_copy(rowst, out_hbm.at[pl.ds(toff, CHT)])

    return gather_k


def _make_scatter():
    mesh = plsc.VectorSubcoreMesh(core_axis_name="c", subcore_axis_name="s")
    rows_per_sub = N // NS

    @functools.partial(
        pl.kernel,
        mesh=mesh,
        out_type=jax.ShapeDtypeStruct((NC, N, NFC), jnp.float32),
        scratch_types=[
            pltpu.VMEM((CH,), jnp.int32),
            pltpu.VMEM((CH,), jnp.int32),
            pltpu.VMEM((CH, NFC), jnp.float32),
            pltpu.VMEM((CH, NFC), jnp.float32),
            pltpu.VMEM((CHT,), jnp.int32),
            pltpu.VMEM((CHT, NFC), jnp.float32),
            pltpu.VMEM_SHARED((N, NFC), jnp.float32),
            pltpu.SemaphoreType.DMA,
            pltpu.SemaphoreType.DMA,
            pltpu.SemaphoreType.DMA,
            pltpu.SemaphoreType.DMA,
        ],
        compiler_params=pltpu.CompilerParams(use_tc_tiling_on_sc=False),
    )
    def scatter_k(rows_hbm, idx_hbm, zeros_hbm, out_hbm,
                  idx0, idx1, rows0, rows1, idxt, rowst, acc,
                  semi0, semi1, semr0, semr1):
        cid = lax.axis_index("c")
        sid = lax.axis_index("s")
        wid = _worker_id()
        base = wid * PER_W
        idxb = [idx0, idx1]
        rowsb = [rows0, rows1]
        semi = [semi0, semi1]
        semr = [semr0, semr1]

        pltpu.sync_copy(
            zeros_hbm.at[pl.ds(sid * rows_per_sub, rows_per_sub)],
            acc.at[pl.ds(sid * rows_per_sub, rows_per_sub)],
        )
        plsc.subcore_barrier()

        ci = [None] * MAIN_CHUNKS
        cr = [None] * MAIN_CHUNKS
        ci[0] = pltpu.async_copy(idx_hbm.at[pl.ds(base, CH)], idxb[0], semi[0])
        cr[0] = pltpu.async_copy(rows_hbm.at[pl.ds(base, CH)], rowsb[0], semr[0])
        for i in range(MAIN_CHUNKS):
            b = i % 2
            if i + 1 < MAIN_CHUNKS:
                nb = (i + 1) % 2
                off = base + (i + 1) * CH
                ci[i + 1] = pltpu.async_copy(
                    idx_hbm.at[pl.ds(off, CH)], idxb[nb], semi[nb])
                cr[i + 1] = pltpu.async_copy(
                    rows_hbm.at[pl.ds(off, CH)], rowsb[nb], semr[nb])
            ci[i].wait()
            cr[i].wait()
            pltpu.sync_copy(rowsb[b], acc.at[idxb[b]], add=True)

        @pl.when(wid < TAIL_WORKERS)
        def _():
            toff = TAIL_BASE + wid * CHT
            pltpu.sync_copy(idx_hbm.at[pl.ds(toff, CHT)], idxt)
            pltpu.sync_copy(rows_hbm.at[pl.ds(toff, CHT)], rowst)
            pltpu.sync_copy(rowst, acc.at[idxt], add=True)

        plsc.subcore_barrier()
        pltpu.sync_copy(
            acc.at[pl.ds(sid * rows_per_sub, rows_per_sub)],
            out_hbm.at[cid, pl.ds(sid * rows_per_sub, rows_per_sub)],
        )

    return scatter_k


def _dot(a, b, out_dtype=jnp.float32):
    return lax.dot_general(
        a, b, (((1,), (0,)), ((), ())), preferred_element_type=out_dtype
    )


PK = 4
EP = E // PK
B_P = B_E // PK
KP = PK * EFC * NFC


def _transform_body(edge_ref, neigh_ref, s_ref, t_ref, w_ref, bt_ref, out_ref):
    a = edge_ref[...].astype(jnp.bfloat16)
    n = neigh_ref[...]
    nb = n.astype(jnp.bfloat16)
    s_small = s_ref[...]
    erep = jnp.concatenate(
        [
            lax.dot_general(
                a[:, u * B_P:(u + 1) * B_P], s_small,
                (((0,), (0,)), ((), ())),
                preferred_element_type=jnp.float32,
            ).astype(jnp.bfloat16)
            for u in range(PK)
        ],
        axis=1,
    )
    ntile = _dot(nb, t_ref[...]).astype(jnp.bfloat16)
    p = erep * ntile
    out_ref[...] = _dot(p, w_ref[...]) + _dot(nb, bt_ref[...])


def _transform(edge_t, npack, w, bt, s, t):
    grid = EP // B_P
    return pl.pallas_call(
        _transform_body,
        grid=(grid,),
        in_specs=[
            pl.BlockSpec((EFC, B_E), lambda i: (0, i)),
            pl.BlockSpec((B_P, PK * NFC), lambda i: (i, 0)),
            pl.BlockSpec((EFC, EFC * NFC), lambda i: (0, 0)),
            pl.BlockSpec((PK * NFC, KP), lambda i: (0, 0)),
            pl.BlockSpec((KP, PK * NFC), lambda i: (0, 0)),
            pl.BlockSpec((PK * NFC, PK * NFC), lambda i: (0, 0)),
        ],
        out_specs=pl.BlockSpec((B_P, PK * NFC), lambda i: (i, 0)),
        out_shape=jax.ShapeDtypeStruct((EP, PK * NFC), jnp.float32),
        compiler_params=pltpu.CompilerParams(
            dimension_semantics=("arbitrary",),
        ),
    )(edge_t, npack, s, t, w, bt)


def _combine_body(a_ref, b_ref, out_ref):
    out_ref[...] = a_ref[...] + b_ref[...]


def _combine(partials):
    np_rows = N * NFC // 128
    pp = partials.reshape(2, np_rows, 128)
    a, b = pp[0], pp[1]
    out = pl.pallas_call(
        _combine_body,
        out_shape=jax.ShapeDtypeStruct((np_rows, 128), jnp.float32),
    )(a, b)
    return out.reshape(N, NFC)


@functools.cache
def _sc_calls():
    return _make_gather(), _make_scatter()


def _permute(idx):
    return idx.reshape(E // B_E, PK, B_P).swapaxes(1, 2).reshape(E)


def kernel(node_features, edge_features, pair_indices, kernel, bias):
    _gather_call, _scatter_call = _sc_calls()
    idx_dst = _permute(pair_indices[:, 0].astype(jnp.int32))
    idx_src = _permute(pair_indices[:, 1].astype(jnp.int32))
    w = kernel.reshape(EFC, NFC, NFC).transpose(0, 2, 1).reshape(EFC * NFC, NFC)
    bt = bias.reshape(NFC, NFC).T
    zeros = jnp.zeros((N, NFC), jnp.float32)
    eye4 = jnp.eye(PK, dtype=jnp.float32)
    s = jnp.kron(jnp.eye(EFC, dtype=jnp.float32), jnp.ones((1, NFC), jnp.float32))
    t = jnp.tile(jnp.eye(NFC, dtype=jnp.float32), (1, EFC))
    s4 = s.astype(jnp.bfloat16)
    t4 = jnp.kron(eye4, t).astype(jnp.bfloat16)
    w4 = jnp.kron(eye4, w).astype(jnp.bfloat16)
    bt4 = jnp.kron(eye4, bt).astype(jnp.bfloat16)

    neigh = _gather_call(node_features, idx_src)
    edge_t = edge_features.T
    npack = neigh.reshape(EP, PK * NFC)
    transformed = _transform(edge_t, npack, w4, bt4, s4, t4)
    partials = _scatter_call(transformed.reshape(E, NFC), idx_dst, zeros)
    return _combine(partials)

# --- scband reference (transcript-rebuilt; emitter-appended) ---
"""Pipeline reference for scband-edge-network-34050500723456 (READ-ONLY COPY).

The authoritative reference and input builder live on the scoring server;
editing this copy changes nothing except your own understanding.
"""

import jax, jax.numpy as jnp
import numpy as np

N = 10000
E = 160000
NFC = 32
EFC = 16


def setup_inputs(seed: int = 0) -> dict:
    key = jax.random.key(seed)
    k1, k2, k3, k4 = jax.random.split(key, 4)
    node_features = jax.random.normal(k1, (N, NFC), dtype=jnp.float32)
    edge_features = jax.random.normal(k2, (E, EFC), dtype=jnp.float32)
    pair_indices = jax.random.randint(k3, (E, 2), 0, N, dtype=jnp.int64)
    limit = np.sqrt(6.0 / (EFC + NFC * NFC)).astype(np.float32)
    kernel = jax.random.uniform(k4, (EFC, NFC * NFC), dtype=jnp.float32, minval=-limit, maxval=limit)
    bias = jnp.zeros((NFC * NFC,), dtype=jnp.float32)
    return {"node_features": node_features, "edge_features": edge_features, "pair_indices": pair_indices, "kernel": kernel, "bias": bias}


def reference(node_features, edge_features, pair_indices, kernel, bias):
    nfc = node_features.shape[-1]
    # per-edge dense transform: [E, efc] @ [efc, nfc*nfc] + bias
    ef = jnp.matmul(edge_features, kernel) + bias
    ef = ef.reshape(-1, nfc, nfc)  # [E, nfc, nfc]
    # gather neighbor (source of message) node features by pair_indices[:, 1]
    neigh = jnp.take(node_features, pair_indices[:, 1], axis=0)  # [E, nfc]
    # batched matrix-vector product per edge
    transformed = jnp.einsum('eij,ej->ei', ef, neigh)  # [E, nfc]
    # unsorted segment sum onto destination nodes pair_indices[:, 0]
    aggregated = jax.ops.segment_sum(transformed, pair_indices[:, 0], num_segments=node_features.shape[0])
    return aggregated

if __name__ == "__main__":
    import jax
    _d = setup_inputs()
    print(jax.jit(kernel)(*tuple(_d.values())))

</pallas_src>

<mosaic_0001>
#map = affine_map<(d0, d1) -> (0, 0)>
#map1 = affine_map<(d0, d1) -> (0)>
module attributes {stable_mosaic.version = 14 : i64} {
  func.func @gather_k(%arg0: i32, %arg1: i32, %arg2: memref<10000x32xf32, #tpu.memory_space<hbm>>, %arg3: memref<160000xi32, #tpu.memory_space<hbm>>, %arg4: memref<160000x32xf32, #tpu.memory_space<hbm>>, %arg5: memref<624xi32, #tpu.memory_space<vmem>>, %arg6: memref<624xi32, #tpu.memory_space<vmem>>, %arg7: memref<624x32xf32, #tpu.memory_space<vmem>>, %arg8: memref<624x32xf32, #tpu.memory_space<vmem>>, %arg9: memref<128xi32, #tpu.memory_space<vmem>>, %arg10: memref<128x32xf32, #tpu.memory_space<vmem>>, %arg11: memref<!tpu.dma_semaphore, #tpu.memory_space<semaphore_mem>>, %arg12: memref<!tpu.dma_semaphore, #tpu.memory_space<semaphore_mem>>, %arg13: memref<!tpu.dma_semaphore, #tpu.memory_space<semaphore_mem>>, %arg14: memref<!tpu.dma_semaphore, #tpu.memory_space<semaphore_mem>>) attributes {dimension_semantics = [#tpu.dimension_semantics<core_parallel>, #tpu.dimension_semantics<subcore_parallel>], iteration_bounds = array<i64: 2, 16>, scalar_prefetch = 0 : i64, scratch_operands = 10 : i64, tpu.core_type = #tpu.core_type<sc_vector_subcore>, window_params = [{transform_indices = #map}, {transform_indices = #map1}, {transform_indices = #map}]} {
    %mul3A = arith.constant 2 : i32
    %mul3A_0 = arith.muli %arg1, %mul3A : i32
    %add3A = arith.addi %mul3A_0, %arg0 : i32
    %mul3A_1 = arith.constant 4992 : i32
    %mul3A_2 = arith.muli %add3A, %mul3A_1 : i32
    %dma_start3A = tpu.memref_slice %arg3[%mul3A_2] : memref<160000xi32, #tpu.memory_space<hbm>> -> memref<624xi32, #tpu.memory_space<hbm>>
    %dma_start3A_3 = tpu.memref_slice %arg3[%mul3A_2] : memref<160000xi32, #tpu.memory_space<hbm>> -> memref<624xi32, #tpu.memory_space<hbm>>
    tpu.enqueue_dma source(%dma_start3A_3 : memref<624xi32, #tpu.memory_space<hbm>>) target(%arg5 : memref<624xi32, #tpu.memory_space<vmem>>) target_semaphore(%arg11 : memref<!tpu.dma_semaphore, #tpu.memory_space<semaphore_mem>>)
    %dma_wait3A = tpu.memref_slice %arg3[%mul3A_2] : memref<160000xi32, #tpu.memory_space<hbm>> -> memref<624xi32, #tpu.memory_space<hbm>>
    %dma_wait3A_4 = tpu.memref_slice %arg3[%mul3A_2] : memref<160000xi32, #tpu.memory_space<hbm>> -> memref<624xi32, #tpu.memory_space<hbm>>
    tpu.wait_dma2 semaphore(%arg11 : memref<!tpu.dma_semaphore, #tpu.memory_space<semaphore_mem>>) src(%dma_wait3A_4 : memref<624xi32, #tpu.memory_space<hbm>>) dst(%arg5 : memref<624xi32, #tpu.memory_space<vmem>>)
    %dma_start3A_5 = arith.constant 0 : i32
    %dma_start3A_6 = arith.constant 0 : i32
    %dma_start3A_7 = tpu.memref_slice %arg2[%dma_start3A_5, %dma_start3A_6] : memref<10000x32xf32, #tpu.memory_space<hbm>> -> memref<10000x32xf32, #tpu.memory_space<hbm>>
    tpu.enqueue_indirect_dma source(%dma_start3A_7 : memref<10000x32xf32, #tpu.memory_space<hbm>>) target(%arg7 : memref<624x32xf32, #tpu.memory_space<vmem>>) offsets(%arg5 : memref<624xi32, #tpu.memory_space<vmem>>) semaphore(%arg13 : memref<!tpu.dma_semaphore, #tpu.memory_space<semaphore_mem>>)
    %add3A_8 = arith.constant 624 : i32
    %add3A_9 = arith.addi %mul3A_2, %add3A_8 : i32
    %dma_start3A_10 = tpu.memref_slice %arg3[%add3A_9] : memref<160000xi32, #tpu.memory_space<hbm>> -> memref<624xi32, #tpu.memory_space<hbm>>
    %dma_start3A_11 = tpu.memref_slice %arg3[%add3A_9] : memref<160000xi32, #tpu.memory_space<hbm>> -> memref<624xi32, #tpu.memory_space<hbm>>
    tpu.enqueue_dma source(%dma_start3A_11 : memref<624xi32, #tpu.memory_space<hbm>>) target(%arg6 : memref<624xi32, #tpu.memory_space<vmem>>) target_semaphore(%arg12 : memref<!tpu.dma_semaphore, #tpu.memory_space<semaphore_mem>>)
    %dma_wait3A_12 = tpu.memref_slice %arg3[%add3A_9] : memref<160000xi32, #tpu.memory_space<hbm>> -> memref<624xi32, #tpu.memory_space<hbm>>
    %dma_wait3A_13 = tpu.memref_slice %arg3[%add3A_9] : memref<160000xi32, #tpu.memory_space<hbm>> -> memref<624xi32, #tpu.memory_space<hbm>>
    tpu.wait_dma2 semaphore(%arg12 : memref<!tpu.dma_semaphore, #tpu.memory_space<semaphore_mem>>) src(%dma_wait3A_13 : memref<624xi32, #tpu.memory_space<hbm>>) dst(%arg6 : memref<624xi32, #tpu.memory_space<vmem>>)
    %dma_start3A_14 = arith.constant 0 : i32
    %dma_start3A_15 = arith.constant 0 : i32
    %dma_start3A_16 = tpu.memref_slice %arg2[%dma_start3A_14, %dma_start3A_15] : memref<10000x32xf32, #tpu.memory_space<hbm>> -> memref<10000x32xf32, #tpu.memory_space<hbm>>
    tpu.enqueue_indirect_dma source(%dma_start3A_16 : memref<10000x32xf32, #tpu.memory_space<hbm>>) target(%arg8 : memref<624x32xf32, #tpu.memory_space<vmem>>) offsets(%arg6 : memref<624xi32, #tpu.memory_space<vmem>>) semaphore(%arg14 : memref<!tpu.dma_semaphore, #tpu.memory_space<semaphore_mem>>)
    %add3A_17 = arith.constant 1248 : i32
    %add3A_18 = arith.addi %mul3A_2, %add3A_17 : i32
    %dma_start3A_19 = tpu.memref_slice %arg3[%add3A_18] : memref<160000xi32, #tpu.memory_space<hbm>> -> memref<624xi32, #tpu.memory_space<hbm>>
    %dma_start3A_20 = tpu.memref_slice %arg3[%add3A_18] : memref<160000xi32, #tpu.memory_space<hbm>> -> memref<624xi32, #tpu.memory_space<hbm>>
    tpu.enqueue_dma source(%dma_start3A_20 : memref<624xi32, #tpu.memory_space<hbm>>) target(%arg5 : memref<624xi32, #tpu.memory_space<vmem>>) target_semaphore(%arg11 : memref<!tpu.dma_semaphore, #tpu.memory_space<semaphore_mem>>)
    %dma_wait3A_21 = arith.constant 0 : i32
    %dma_wait3A_22 = arith.constant 0 : i32
    %dma_wait3A_23 = tpu.memref_slice %arg2[%dma_wait3A_21, %dma_wait3A_22] : memref<10000x32xf32, #tpu.memory_space<hbm>> -> memref<10000x32xf32, #tpu.memory_space<hbm>>
    tpu.wait_indirect_dma semaphore(%arg13 : memref<!tpu.dma_semaphore, #tpu.memory_space<semaphore_mem>>) src(%dma_wait3A_23 : memref<10000x32xf32, #tpu.memory_space<hbm>>) dst(%arg7 : memref<624x32xf32, #tpu.memory_space<vmem>>)
    %add3A_24 = arith.constant 0 : i32
    %add3A_25 = arith.addi %mul3A_2, %add3A_24 : i32
    "tpu.region"() ({
      %run_scoped3A = tpu.sem_alloc : memref<!tpu.dma_semaphore, #tpu.memory_space<semaphore_mem>>
      %dma_start3A_113 = arith.constant 0 : i32
      %dma_start3A_114 = tpu.memref_slice %arg4[%add3A_25, %dma_start3A_113] : memref<160000x32xf32, #tpu.memory_space<hbm>> -> memref<624x32xf32, #tpu.memory_space<hbm>>
      %dma_start3A_115 = arith.constant 0 : i32
      %dma_start3A_116 = tpu.memref_slice %arg4[%add3A_25, %dma_start3A_115] : memref<160000x32xf32, #tpu.memory_space<hbm>> -> memref<624x32xf32, #tpu.memory_space<hbm>>
      tpu.enqueue_dma source(%arg7 : memref<624x32xf32, #tpu.memory_space<vmem>>) target(%dma_start3A_116 : memref<624x32xf32, #tpu.memory_space<hbm>>) target_semaphore(%run_scoped3A : memref<!tpu.dma_semaphore, #tpu.memory_space<semaphore_mem>>)
      %dma_wait3A_117 = arith.constant 0 : i32
      %dma_wait3A_118 = tpu.memref_slice %arg4[%add3A_25, %dma_wait3A_117] : memref<160000x32xf32, #tpu.memory_space<hbm>> -> memref<624x32xf32, #tpu.memory_space<hbm>>
      %dma_wait3A_119 = arith.constant 0 : i32
      %dma_wait3A_120 = tpu.memref_slice %arg4[%add3A_25, %dma_wait3A_119] : memref<160000x32xf32, #tpu.memory_space<hbm>> -> memref<624x32xf32, #tpu.memory_space<hbm>>
      tpu.wait_dma2 semaphore(%run_scoped3A : memref<!tpu.dma_semaphore, #tpu.memory_space<semaphore_mem>>) src(%arg7 : memref<624x32xf32, #tpu.memory_space<vmem>>) dst(%dma_wait3A_120 : memref<624x32xf32, #tpu.memory_space<hbm>>)
      tpu.yield
    }) : () -> ()
    %dma_wait3A_26 = tpu.memref_slice %arg3[%add3A_18] : memref<160000xi32, #tpu.memory_space<hbm>> -> memref<624xi32, #tpu.memory_space<hbm>>
    %dma_wait3A_27 = tpu.memref_slice %arg3[%add3A_18] : memref<160000xi32, #tpu.memory_space<hbm>> -> memref<624xi32, #tpu.memory_space<hbm>>
    tpu.wait_dma2 semaphore(%arg11 : memref<!tpu.dma_semaphore, #tpu.memory_space<semaphore_mem>>) src(%dma_wait3A_27 : memref<624xi32, #tpu.memory_space<hbm>>) dst(%arg5 : memref<624xi32, #tpu.memory_space<vmem>>)
    %dma_start3A_28 = arith.constant 0 : i32
    %dma_start3A_29 = arith.constant 0 : i32
    %dma_start3A_30 = tpu.memref_slice %arg2[%dma_start3A_28, %dma_start3A_29] : memref<10000x32xf32, #tpu.memory_space<hbm>> -> memref<10000x32xf32, #tpu.memory_space<hbm>>
    tpu.enqueue_indirect_dma source(%dma_start3A_30 : memref<10000x32xf32, #tpu.memory_space<hbm>>) target(%arg7 : memref<624x32xf32, #tpu.memory_space<vmem>>) offsets(%arg5 : memref<624xi32, #tpu.memory_space<vmem>>) semaphore(%arg13 : memref<!tpu.dma_semaphore, #tpu.memory_space<semaphore_mem>>)
    %add3A_31 = arith.constant 1872 : i32
    %add3A_32 = arith.addi %mul3A_2, %add3A_31 : i32
    %dma_start3A_33 = tpu.memref_slice %arg3[%add3A_32] : memref<160000xi32, #tpu.memory_space<hbm>> -> memref<624xi32, #tpu.memory_space<hbm>>
    %dma_start3A_34 = tpu.memref_slice %arg3[%add3A_32] : memref<160000xi32, #tpu.memory_space<hbm>> -> memref<624xi32, #tpu.memory_space<hbm>>
    tpu.enqueue_dma source(%dma_start3A_34 : memref<624xi32, #tpu.memory_space<hbm>>) target(%arg6 : memref<624xi32, #tpu.memory_space<vmem>>) target_semaphore(%arg12 : memref<!tpu.dma_semaphore, #tpu.memory_space<semaphore_mem>>)
    %dma_wait3A_35 = arith.constant 0 : i32
    %dma_wait3A_36 = arith.constant 0 : i32
    %dma_wait3A_37 = tpu.memref_slice %arg2[%dma_wait3A_35, %dma_wait3A_36] : memref<10000x32xf32, #tpu.memory_space<hbm>> -> memref<10000x32xf32, #tpu.memory_space<hbm>>
    tpu.wait_indirect_dma semaphore(%arg14 : memref<!tpu.dma_semaphore, #tpu.memory_space<semaphore_mem>>) src(%dma_wait3A_37 : memref<10000x32xf32, #tpu.memory_space<hbm>>) dst(%arg8 : memref<624x32xf32, #tpu.memory_space<vmem>>)
    %add3A_38 = arith.constant 624 : i32
    %add3A_39 = arith.addi %mul3A_2, %add3A_38 : i32
    "tpu.region"() ({
      %run_scoped3A = tpu.sem_alloc : memref<!tpu.dma_semaphore, #tpu.memory_space<semaphore_mem>>
      %dma_start3A_113 = arith.constant 0 : i32
      %dma_start3A_114 = tpu.memref_slice %arg4[%add3A_39, %dma_start3A_113] : memref<160000x32xf32, #tpu.memory_space<hbm>> -> memref<624x32xf32, #tpu.memory_space<hbm>>
      %dma_start3A_115 = arith.constant 0 : i32
      %dma_start3A_116 = tpu.memref_slice %arg4[%add3A_39, %dma_start3A_115] : memref<160000x32xf32, #tpu.memory_space<hbm>> -> memref<624x32xf32, #tpu.memory_space<hbm>>
      tpu.enqueue_dma source(%arg8 : memref<624x32xf32, #tpu.memory_space<vmem>>) target(%dma_start3A_116 : memref<624x32xf32, #tpu.memory_space<hbm>>) target_semaphore(%run_scoped3A : memref<!tpu.dma_semaphore, #tpu.memory_space<semaphore_mem>>)
      %dma_wait3A_117 = arith.constant 0 : i32
      %dma_wait3A_118 = tpu.memref_slice %arg4[%add3A_39, %dma_wait3A_117] : memref<160000x32xf32, #tpu.memory_space<hbm>> -> memref<624x32xf32, #tpu.memory_space<hbm>>
      %dma_wait3A_119 = arith.constant 0 : i32
      %dma_wait3A_120 = tpu.memref_slice %arg4[%add3A_39, %dma_wait3A_119] : memref<160000x32xf32, #tpu.memory_space<hbm>> -> memref<624x32xf32, #tpu.memory_space<hbm>>
      tpu.wait_dma2 semaphore(%run_scoped3A : memref<!tpu.dma_semaphore, #tpu.memory_space<semaphore_mem>>) src(%arg8 : memref<624x32xf32, #tpu.memory_space<vmem>>) dst(%dma_wait3A_120 : memref<624x32xf32, #tpu.memory_space<hbm>>)
      tpu.yield
    }) : () -> ()
    %dma_wait3A_40 = tpu.memref_slice %arg3[%add3A_32] : memref<160000xi32, #tpu.memory_space<hbm>> -> memref<624xi32, #tpu.memory_space<hbm>>
    %dma_wait3A_41 = tpu.memref_slice %arg3[%add3A_32] : memref<160000xi32, #tpu.memory_space<hbm>> -> memref<624xi32, #tpu.memory_space<hbm>>
    tpu.wait_dma2 semaphore(%arg12 : memref<!tpu.dma_semaphore, #tpu.memory_space<semaphore_mem>>) src(%dma_wait3A_41 : memref<624xi32, #tpu.memory_space<hbm>>) dst(%arg6 : memref<624xi32, #tpu.memory_space<vmem>>)
    %dma_start3A_42 = arith.constant 0 : i32
    %dma_start3A_43 = arith.constant 0 : i32
    %dma_start3A_44 = tpu.memref_slice %arg2[%dma_start3A_42, %dma_start3A_43] : memref<10000x32xf32, #tpu.memory_space<hbm>> -> memref<10000x32xf32, #tpu.memory_space<hbm>>
    tpu.enqueue_indirect_dma source(%dma_start3A_44 : memref<10000x32xf32, #tpu.memory_space<hbm>>) target(%arg8 : memref<624x32xf32, #tpu.memory_space<vmem>>) offsets(%arg6 : memref<624xi32, #tpu.memory_space<vmem>>) semaphore(%arg14 : memref<!tpu.dma_semaphore, #tpu.memory_space<semaphore_mem>>)
    %add3A_45 = arith.constant 2496 : i32
    %add3A_46 = arith.addi %mul3A_2, %add3A_45 : i32
    %dma_start3A_47 = tpu.memref_slice %arg3[%add3A_46] : memref<160000xi32, #tpu.memory_space<hbm>> -> memref<624xi32, #tpu.memory_space<hbm>>
    %dma_start3A_48 = tpu.memref_slice %arg3[%add3A_46] : memref<160000xi32, #tpu.memory_space<hbm>> -> memref<624xi32, #tpu.memory_space<hbm>>
    tpu.enqueue_dma source(%dma_start3A_48 : memref<624xi32, #tpu.memory_space<hbm>>) target(%arg5 : memref<624xi32, #tpu.memory_space<vmem>>) target_semaphore(%arg11 : memref<!tpu.dma_semaphore, #tpu.memory_space<semaphore_mem>>)
    %dma_wait3A_49 = arith.constant 0 : i32
    %dma_wait3A_50 = arith.constant 0 : i32
    %dma_wait3A_51 = tpu.memref_slice %arg2[%dma_wait3A_49, %dma_wait3A_50] : memref<10000x32xf32, #tpu.memory_space<hbm>> -> memref<10000x32xf32, #tpu.memory_space<hbm>>
    tpu.wait_indirect_dma semaphore(%arg13 : memref<!tpu.dma_semaphore, #tpu.memory_space<semaphore_mem>>) src(%dma_wait3A_51 : memref<10000x32xf32, #tpu.memory_space<hbm>>) dst(%arg7 : memref<624x32xf32, #tpu.memory_space<vmem>>)
    %add3A_52 = arith.constant 1248 : i32
    %add3A_53 = arith.addi %mul3A_2, %add3A_52 : i32
    "tpu.region"() ({
      %run_scoped3A = tpu.sem_alloc : memref<!tpu.dma_semaphore, #tpu.memory_space<semaphore_mem>>
      %dma_start3A_113 = arith.constant 0 : i32
      %dma_start3A_114 = tpu.memref_slice %arg4[%add3A_53, %dma_start3A_113] : memref<160000x32xf32, #tpu.memory_space<hbm>> -> memref<624x32xf32, #tpu.memory_space<hbm>>
      %dma_start3A_115 = arith.constant 0 : i32
      %dma_start3A_116 = tpu.memref_slice %arg4[%add3A_53, %dma_start3A_115] : memref<160000x32xf32, #tpu.memory_space<hbm>> -> memref<624x32xf32, #tpu.memory_space<hbm>>
      tpu.enqueue_dma source(%arg7 : memref<624x32xf32, #tpu.memory_space<vmem>>) target(%dma_start3A_116 : memref<624x32xf32, #tpu.memory_space<hbm>>) target_semaphore(%run_scoped3A : memref<!tpu.dma_semaphore, #tpu.memory_space<semaphore_mem>>)
      %dma_wait3A_117 = arith.constant 0 : i32
      %dma_wait3A_118 = tpu.memref_slice %arg4[%add3A_53, %dma_wait3A_117] : memref<160000x32xf32, #tpu.memory_space<hbm>> -> memref<624x32xf32, #tpu.memory_space<hbm>>
      %dma_wait3A_119 = arith.constant 0 : i32
      %dma_wait3A_120 = tpu.memref_slice %arg4[%add3A_53, %dma_wait3A_119] : memref<160000x32xf32, #tpu.memory_space<hbm>> -> memref<624x32xf32, #tpu.memory_space<hbm>>
      tpu.wait_dma2 semaphore(%run_scoped3A : memref<!tpu.dma_semaphore, #tpu.memory_space<semaphore_mem>>) src(%arg7 : memref<624x32xf32, #tpu.memory_space<vmem>>) dst(%dma_wait3A_120 : memref<624x32xf32, #tpu.memory_space<hbm>>)
      tpu.yield
    }) : () -> ()
    %dma_wait3A_54 = tpu.memref_slice %arg3[%add3A_46] : memref<160000xi32, #tpu.memory_space<hbm>> -> memref<624xi32, #tpu.memory_space<hbm>>
    %dma_wait3A_55 = tpu.memref_slice %arg3[%add3A_46] : memref<160000xi32, #tpu.memory_space<hbm>> -> memref<624xi32, #tpu.memory_space<hbm>>
    tpu.wait_dma2 semaphore(%arg11 : memref<!tpu.dma_semaphore, #tpu.memory_space<semaphore_mem>>) src(%dma_wait3A_55 : memref<624xi32, #tpu.memory_space<hbm>>) dst(%arg5 : memref<624xi32, #tpu.memory_space<vmem>>)
    %dma_start3A_56 = arith.constant 0 : i32
    %dma_start3A_57 = arith.constant 0 : i32
    %dma_start3A_58 = tpu.memref_slice %arg2[%dma_start3A_56, %dma_start3A_57] : memref<10000x32xf32, #tpu.memory_space<hbm>> -> memref<10000x32xf32, #tpu.memory_space<hbm>>
    tpu.enqueue_indirect_dma source(%dma_start3A_58 : memref<10000x32xf32, #tpu.memory_space<hbm>>) target(%arg7 : memref<624x32xf32, #tpu.memory_space<vmem>>) offsets(%arg5 : memref<624xi32, #tpu.memory_space<vmem>>) semaphore(%arg13 : memref<!tpu.dma_semaphore, #tpu.memory_space<semaphore_mem>>)
    %add3A_59 = arith.constant 3120 : i32
    %add3A_60 = arith.addi %mul3A_2, %add3A_59 : i32
    %dma_start3A_61 = tpu.memref_slice %arg3[%add3A_60] : memref<160000xi32, #tpu.memory_space<hbm>> -> memref<624xi32, #tpu.memory_space<hbm>>
    %dma_start3A_62 = tpu.memref_slice %arg3[%add3A_60] : memref<160000xi32, #tpu.memory_space<hbm>> -> memref<624xi32, #tpu.memory_space<hbm>>
    tpu.enqueue_dma source(%dma_start3A_62 : memref<624xi32, #tpu.memory_space<hbm>>) target(%arg6 : memref<624xi32, #tpu.memory_space<vmem>>) target_semaphore(%arg12 : memref<!tpu.dma_semaphore, #tpu.memory_space<semaphore_mem>>)
    %dma_wait3A_63 = arith.constant 0 : i32
    %dma_wait3A_64 = arith.constant 0 : i32
    %dma_wait3A_65 = tpu.memref_slice %arg2[%dma_wait3A_63, %dma_wait3A_64] : memref<10000x32xf32, #tpu.memory_space<hbm>> -> memref<10000x32xf32, #tpu.memory_space<hbm>>
    tpu.wait_indirect_dma semaphore(%arg14 : memref<!tpu.dma_semaphore, #tpu.memory_space<semaphore_mem>>) src(%dma_wait3A_65 : memref<10000x32xf32, #tpu.memory_space<hbm>>) dst(%arg8 : memref<624x32xf32, #tpu.memory_space<vmem>>)
    %add3A_66 = arith.constant 1872 : i32
    %add3A_67 = arith.addi %mul3A_2, %add3A_66 : i32
    "tpu.region"() ({
      %run_scoped3A = tpu.sem_alloc : memref<!tpu.dma_semaphore, #tpu.memory_space<semaphore_mem>>
      %dma_start3A_113 = arith.constant 0 : i32
      %dma_start3A_114 = tpu.memref_slice %arg4[%add3A_67, %dma_start3A_113] : memref<160000x32xf32, #tpu.memory_space<hbm>> -> memref<624x32xf32, #tpu.memory_space<hbm>>
      %dma_start3A_115 = arith.constant 0 : i32
      %dma_start3A_116 = tpu.memref_slice %arg4[%add3A_67, %dma_start3A_115] : memref<160000x32xf32, #tpu.memory_space<hbm>> -> memref<624x32xf32, #tpu.memory_space<hbm>>
      tpu.enqueue_dma source(%arg8 : memref<624x32xf32, #tpu.memory_space<vmem>>) target(%dma_start3A_116 : memref<624x32xf32, #tpu.memory_space<hbm>>) target_semaphore(%run_scoped3A : memref<!tpu.dma_semaphore, #tpu.memory_space<semaphore_mem>>)
      %dma_wait3A_117 = arith.constant 0 : i32
      %dma_wait3A_118 = tpu.memref_slice %arg4[%add3A_67, %dma_wait3A_117] : memref<160000x32xf32, #tpu.memory_space<hbm>> -> memref<624x32xf32, #tpu.memory_space<hbm>>
      %dma_wait3A_119 = arith.constant 0 : i32
      %dma_wait3A_120 = tpu.memref_slice %arg4[%add3A_67, %dma_wait3A_119] : memref<160000x32xf32, #tpu.memory_space<hbm>> -> memref<624x32xf32, #tpu.memory_space<hbm>>
      tpu.wait_dma2 semaphore(%run_scoped3A : memref<!tpu.dma_semaphore, #tpu.memory_space<semaphore_mem>>) src(%arg8 : memref<624x32xf32, #tpu.memory_space<vmem>>) dst(%dma_wait3A_120 : memref<624x32xf32, #tpu.memory_space<hbm>>)
      tpu.yield
    }) : () -> ()
    %dma_wait3A_68 = tpu.memref_slice %arg3[%add3A_60] : memref<160000xi32, #tpu.memory_space<hbm>> -> memref<624xi32, #tpu.memory_space<hbm>>
    %dma_wait3A_69 = tpu.memref_slice %arg3[%add3A_60] : memref<160000xi32, #tpu.memory_space<hbm>> -> memref<624xi32, #tpu.memory_space<hbm>>
    tpu.wait_dma2 semaphore(%arg12 : memref<!tpu.dma_semaphore, #tpu.memory_space<semaphore_mem>>) src(%dma_wait3A_69 : memref<624xi32, #tpu.memory_space<hbm>>) dst(%arg6 : memref<624xi32, #tpu.memory_space<vmem>>)
    %dma_start3A_70 = arith.constant 0 : i32
    %dma_start3A_71 = arith.constant 0 : i32
    %dma_start3A_72 = tpu.memref_slice %arg2[%dma_start3A_70, %dma_start3A_71] : memref<10000x32xf32, #tpu.memory_space<hbm>> -> memref<10000x32xf32, #tpu.memory_space<hbm>>
    tpu.enqueue_indirect_dma source(%dma_start3A_72 : memref<10000x32xf32, #tpu.memory_space<hbm>>) target(%arg8 : memref<624x32xf32, #tpu.memory_space<vmem>>) offsets(%arg6 : memref<624xi32, #tpu.memory_space<vmem>>) semaphore(%arg14 : memref<!tpu.dma_semaphore, #tpu.memory_space<semaphore_mem>>)
    %add3A_73 = arith.constant 3744 : i32
    %add3A_74 = arith.addi %mul3A_2, %add3A_73 : i32
    %dma_start3A_75 = tpu.memref_slice %arg3[%add3A_74] : memref<160000xi32, #tpu.memory_space<hbm>> -> memref<624xi32, #tpu.memory_space<hbm>>
    %dma_start3A_76 = tpu.memref_slice %arg3[%add3A_74] : memref<160000xi32, #tpu.memory_space<hbm>> -> memref<624xi32, #tpu.memory_space<hbm>>
    tpu.enqueue_dma source(%dma_start3A_76 : memref<624xi32, #tpu.memory_space<hbm>>) target(%arg5 : memref<624xi32, #tpu.memory_space<vmem>>) target_semaphore(%arg11 : memref<!tpu.dma_semaphore, #tpu.memory_space<semaphore_mem>>)
    %dma_wait3A_77 = arith.constant 0 : i32
    %dma_wait3A_78 = arith.constant 0 : i32
    %dma_wait3A_79 = tpu.memref_slice %arg2[%dma_wait3A_77, %dma_wait3A_78] : memref<10000x32xf32, #tpu.memory_space<hbm>> -> memref<10000x32xf32, #tpu.memory_space<hbm>>
    tpu.wait_indirect_dma semaphore(%arg13 : memref<!tpu.dma_semaphore, #tpu.memory_space<semaphore_mem>>) src(%dma_wait3A_79 : memref<10000x32xf32, #tpu.memory_space<hbm>>) dst(%arg7 : memref<624x32xf32, #tpu.memory_space<vmem>>)
    %add3A_80 = arith.constant 2496 : i32
    %add3A_81 = arith.addi %mul3A_2, %add3A_80 : i32
    "tpu.region"() ({
      %run_scoped3A = tpu.sem_alloc : memref<!tpu.dma_semaphore, #tpu.memory_space<semaphore_mem>>
      %dma_start3A_113 = arith.constant 0 : i32
      %dma_start3A_114 = tpu.memref_slice %arg4[%add3A_81, %dma_start3A_113] : memref<160000x32xf32, #tpu.memory_space<hbm>> -> memref<624x32xf32, #tpu.memory_space<hbm>>
      %dma_start3A_115 = arith.constant 0 : i32
      %dma_start3A_116 = tpu.memref_slice %arg4[%add3A_81, %dma_start3A_115] : memref<160000x32xf32, #tpu.memory_space<hbm>> -> memref<624x32xf32, #tpu.memory_space<hbm>>
      tpu.enqueue_dma source(%arg7 : memref<624x32xf32, #tpu.memory_space<vmem>>) target(%dma_start3A_116 : memref<624x32xf32, #tpu.memory_space<hbm>>) target_semaphore(%run_scoped3A : memref<!tpu.dma_semaphore, #tpu.memory_space<semaphore_mem>>)
      %dma_wait3A_117 = arith.constant 0 : i32
      %dma_wait3A_118 = tpu.memref_slice %arg4[%add3A_81, %dma_wait3A_117] : memref<160000x32xf32, #tpu.memory_space<hbm>> -> memref<624x32xf32, #tpu.memory_space<hbm>>
      %dma_wait3A_119 = arith.constant 0 : i32
      %dma_wait3A_120 = tpu.memref_slice %arg4[%add3A_81, %dma_wait3A_119] : memref<160000x32xf32, #tpu.memory_space<hbm>> -> memref<624x32xf32, #tpu.memory_space<hbm>>
      tpu.wait_dma2 semaphore(%run_scoped3A : memref<!tpu.dma_semaphore, #tpu.memory_space<semaphore_mem>>) src(%arg7 : memref<624x32xf32, #tpu.memory_space<vmem>>) dst(%dma_wait3A_120 : memref<624x32xf32, #tpu.memory_space<hbm>>)
      tpu.yield
    }) : () -> ()
    %dma_wait3A_82 = tpu.memref_slice %arg3[%add3A_74] : memref<160000xi32, #tpu.memory_space<hbm>> -> memref<624xi32, #tpu.memory_space<hbm>>
    %dma_wait3A_83 = tpu.memref_slice %arg3[%add3A_74] : memref<160000xi32, #tpu.memory_space<hbm>> -> memref<624xi32, #tpu.memory_space<hbm>>
    tpu.wait_dma2 semaphore(%arg11 : memref<!tpu.dma_semaphore, #tpu.memory_space<semaphore_mem>>) src(%dma_wait3A_83 : memref<624xi32, #tpu.memory_space<hbm>>) dst(%arg5 : memref<624xi32, #tpu.memory_space<vmem>>)
    %dma_start3A_84 = arith.constant 0 : i32
    %dma_start3A_85 = arith.constant 0 : i32
    %dma_start3A_86 = tpu.memref_slice %arg2[%dma_start3A_84, %dma_start3A_85] : memref<10000x32xf32, #tpu.memory_space<hbm>> -> memref<10000x32xf32, #tpu.memory_space<hbm>>
    tpu.enqueue_indirect_dma source(%dma_start3A_86 : memref<10000x32xf32, #tpu.memory_space<hbm>>) target(%arg7 : memref<624x32xf32, #tpu.memory_space<vmem>>) offsets(%arg5 : memref<624xi32, #tpu.memory_space<vmem>>) semaphore(%arg13 : memref<!tpu.dma_semaphore, #tpu.memory_space<semaphore_mem>>)
    %add3A_87 = arith.constant 4368 : i32
    %add3A_88 = arith.addi %mul3A_2, %add3A_87 : i32
    %dma_start3A_89 = tpu.memref_slice %arg3[%add3A_88] : memref<160000xi32, #tpu.memory_space<hbm>> -> memref<624xi32, #tpu.memory_space<hbm>>
    %dma_start3A_90 = tpu.memref_slice %arg3[%add3A_88] : memref<160000xi32, #tpu.memory_space<hbm>> -> memref<624xi32, #tpu.memory_space<hbm>>
    tpu.enqueue_dma source(%dma_start3A_90 : memref<624xi32, #tpu.memory_space<hbm>>) target(%arg6 : memref<624xi32, #tpu.memory_space<vmem>>) target_semaphore(%arg12 : memref<!tpu.dma_semaphore, #tpu.memory_space<semaphore_mem>>)
    %dma_wait3A_91 = arith.constant 0 : i32
    %dma_wait3A_92 = arith.constant 0 : i32
    %dma_wait3A_93 = tpu.memref_slice %arg2[%dma_wait3A_91, %dma_wait3A_92] : memref<10000x32xf32, #tpu.memory_space<hbm>> -> memref<10000x32xf32, #tpu.memory_space<hbm>>
    tpu.wait_indirect_dma semaphore(%arg14 : memref<!tpu.dma_semaphore, #tpu.memory_space<semaphore_mem>>) src(%dma_wait3A_93 : memref<10000x32xf32, #tpu.memory_space<hbm>>) dst(%arg8 : memref<624x32xf32, #tpu.memory_space<vmem>>)
    %add3A_94 = arith.constant 3120 : i32
    %add3A_95 = arith.addi %mul3A_2, %add3A_94 : i32
    "tpu.region"() ({
      %run_scoped3A = tpu.sem_alloc : memref<!tpu.dma_semaphore, #tpu.memory_space<semaphore_mem>>
      %dma_start3A_113 = arith.constant 0 : i32
      %dma_start3A_114 = tpu.memref_slice %arg4[%add3A_95, %dma_start3A_113] : memref<160000x32xf32, #tpu.memory_space<hbm>> -> memref<624x32xf32, #tpu.memory_space<hbm>>
      %dma_start3A_115 = arith.constant 0 : i32
      %dma_start3A_116 = tpu.memref_slice %arg4[%add3A_95, %dma_start3A_115] : memref<160000x32xf32, #tpu.memory_space<hbm>> -> memref<624x32xf32, #tpu.memory_space<hbm>>
      tpu.enqueue_dma source(%arg8 : memref<624x32xf32, #tpu.memory_space<vmem>>) target(%dma_start3A_116 : memref<624x32xf32, #tpu.memory_space<hbm>>) target_semaphore(%run_scoped3A : memref<!tpu.dma_semaphore, #tpu.memory_space<semaphore_mem>>)
      %dma_wait3A_117 = arith.constant 0 : i32
      %dma_wait3A_118 = tpu.memref_slice %arg4[%add3A_95, %dma_wait3A_117] : memref<160000x32xf32, #tpu.memory_space<hbm>> -> memref<624x32xf32, #tpu.memory_space<hbm>>
      %dma_wait3A_119 = arith.constant 0 : i32
      %dma_wait3A_120 = tpu.memref_slice %arg4[%add3A_95, %dma_wait3A_119] : memref<160000x32xf32, #tpu.memory_space<hbm>> -> memref<624x32xf32, #tpu.memory_space<hbm>>
      tpu.wait_dma2 semaphore(%run_scoped3A : memref<!tpu.dma_semaphore, #tpu.memory_space<semaphore_mem>>) src(%arg8 : memref<624x32xf32, #tpu.memory_space<vmem>>) dst(%dma_wait3A_120 : memref<624x32xf32, #tpu.memory_space<hbm>>)
      tpu.yield
    }) : () -> ()
    %dma_wait3A_96 = tpu.memref_slice %arg3[%add3A_88] : memref<160000xi32, #tpu.memory_space<hbm>> -> memref<624xi32, #tpu.memory_space<hbm>>
    %dma_wait3A_97 = tpu.memref_slice %arg3[%add3A_88] : memref<160000xi32, #tpu.memory_space<hbm>> -> memref<624xi32, #tpu.memory_space<hbm>>
    tpu.wait_dma2 semaphore(%arg12 : memref<!tpu.dma_semaphore, #tpu.memory_space<semaphore_mem>>) src(%dma_wait3A_97 : memref<624xi32, #tpu.memory_space<hbm>>) dst(%arg6 : memref<624xi32, #tpu.memory_space<vmem>>)
    %dma_start3A_98 = arith.constant 0 : i32
    %dma_start3A_99 = arith.constant 0 : i32
    %dma_start3A_100 = tpu.memref_slice %arg2[%dma_start3A_98, %dma_start3A_99] : memref<10000x32xf32, #tpu.memory_space<hbm>> -> memref<10000x32xf32, #tpu.memory_space<hbm>>
    tpu.enqueue_indirect_dma source(%dma_start3A_100 : memref<10000x32xf32, #tpu.memory_space<hbm>>) target(%arg8 : memref<624x32xf32, #tpu.memory_space<vmem>>) offsets(%arg6 : memref<624xi32, #tpu.memory_space<vmem>>) semaphore(%arg14 : memref<!tpu.dma_semaphore, #tpu.memory_space<semaphore_mem>>)
    %dma_wait3A_101 = arith.constant 0 : i32
    %dma_wait3A_102 = arith.constant 0 : i32
    %dma_wait3A_103 = tpu.memref_slice %arg2[%dma_wait3A_101, %dma_wait3A_102] : memref<10000x32xf32, #tpu.memory_space<hbm>> -> memref<10000x32xf32, #tpu.memory_space<hbm>>
    tpu.wait_indirect_dma semaphore(%arg13 : memref<!tpu.dma_semaphore, #tpu.memory_space<semaphore_mem>>) src(%dma_wait3A_103 : memref<10000x32xf32, #tpu.memory_space<hbm>>) dst(%arg7 : memref<624x32xf32, #tpu.memory_space<vmem>>)
    %add3A_104 = arith.constant 3744 : i32
    %add3A_105 = arith.addi %mul3A_2, %add3A_104 : i32
    "tpu.region"() ({
      %run_scoped3A = tpu.sem_alloc : memref<!tpu.dma_semaphore, #tpu.memory_space<semaphore_mem>>
      %dma_start3A_113 = arith.constant 0 : i32
      %dma_start3A_114 = tpu.memref_slice %arg4[%add3A_105, %dma_start3A_113] : memref<160000x32xf32, #tpu.memory_space<hbm>> -> memref<624x32xf32, #tpu.memory_space<hbm>>
      %dma_start3A_115 = arith.constant 0 : i32
      %dma_start3A_116 = tpu.memref_slice %arg4[%add3A_105, %dma_start3A_115] : memref<160000x32xf32, #tpu.memory_space<hbm>> -> memref<624x32xf32, #tpu.memory_space<hbm>>
      tpu.enqueue_dma source(%arg7 : memref<624x32xf32, #tpu.memory_space<vmem>>) target(%dma_start3A_116 : memref<624x32xf32, #tpu.memory_space<hbm>>) target_semaphore(%run_scoped3A : memref<!tpu.dma_semaphore, #tpu.memory_space<semaphore_mem>>)
      %dma_wait3A_117 = arith.constant 0 : i32
      %dma_wait3A_118 = tpu.memref_slice %arg4[%add3A_105, %dma_wait3A_117] : memref<160000x32xf32, #tpu.memory_space<hbm>> -> memref<624x32xf32, #tpu.memory_space<hbm>>
      %dma_wait3A_119 = arith.constant 0 : i32
      %dma_wait3A_120 = tpu.memref_slice %arg4[%add3A_105, %dma_wait3A_119] : memref<160000x32xf32, #tpu.memory_space<hbm>> -> memref<624x32xf32, #tpu.memory_space<hbm>>
      tpu.wait_dma2 semaphore(%run_scoped3A : memref<!tpu.dma_semaphore, #tpu.memory_space<semaphore_mem>>) src(%arg7 : memref<624x32xf32, #tpu.memory_space<vmem>>) dst(%dma_wait3A_120 : memref<624x32xf32, #tpu.memory_space<hbm>>)
      tpu.yield
    }) : () -> ()
    %dma_wait3A_106 = arith.constant 0 : i32
    %dma_wait3A_107 = arith.constant 0 : i32
    %dma_wait3A_108 = tpu.memref_slice %arg2[%dma_wait3A_106, %dma_wait3A_107] : memref<10000x32xf32, #tpu.memory_space<hbm>> -> memref<10000x32xf32, #tpu.memory_space<hbm>>
    tpu.wait_indirect_dma semaphore(%arg14 : memref<!tpu.dma_semaphore, #tpu.memory_space<semaphore_mem>>) src(%dma_wait3A_108 : memref<10000x32xf32, #tpu.memory_space<hbm>>) dst(%arg8 : memref<624x32xf32, #tpu.memory_space<vmem>>)
    %add3A_109 = arith.constant 4368 : i32
    %add3A_110 = arith.addi %mul3A_2, %add3A_109 : i32
    "tpu.region"() ({
      %run_scoped3A = tpu.sem_alloc : memref<!tpu.dma_semaphore, #tpu.memory_space<semaphore_mem>>
      %dma_start3A_113 = arith.constant 0 : i32
      %dma_start3A_114 = tpu.memref_slice %arg4[%add3A_110, %dma_start3A_113] : memref<160000x32xf32, #tpu.memory_space<hbm>> -> memref<624x32xf32, #tpu.memory_space<hbm>>
      %dma_start3A_115 = arith.constant 0 : i32
      %dma_start3A_116 = tpu.memref_slice %arg4[%add3A_110, %dma_start3A_115] : memref<160000x32xf32, #tpu.memory_space<hbm>> -> memref<624x32xf32, #tpu.memory_space<hbm>>
      tpu.enqueue_dma source(%arg8 : memref<624x32xf32, #tpu.memory_space<vmem>>) target(%dma_start3A_116 : memref<624x32xf32, #tpu.memory_space<hbm>>) target_semaphore(%run_scoped3A : memref<!tpu.dma_semaphore, #tpu.memory_space<semaphore_mem>>)
      %dma_wait3A_117 = arith.constant 0 : i32
      %dma_wait3A_118 = tpu.memref_slice %arg4[%add3A_110, %dma_wait3A_117] : memref<160000x32xf32, #tpu.memory_space<hbm>> -> memref<624x32xf32, #tpu.memory_space<hbm>>
      %dma_wait3A_119 = arith.constant 0 : i32
      %dma_wait3A_120 = tpu.memref_slice %arg4[%add3A_110, %dma_wait3A_119] : memref<160000x32xf32, #tpu.memory_space<hbm>> -> memref<624x32xf32, #tpu.memory_space<hbm>>
      tpu.wait_dma2 semaphore(%run_scoped3A : memref<!tpu.dma_semaphore, #tpu.memory_space<semaphore_mem>>) src(%arg8 : memref<624x32xf32, #tpu.memory_space<vmem>>) dst(%dma_wait3A_120 : memref<624x32xf32, #tpu.memory_space<hbm>>)
      tpu.yield
    }) : () -> ()
    %lt3A = arith.constant 2 : i32
    %lt3A_111 = arith.cmpi slt, %add3A, %lt3A : i32
    %convert_element_type3A = arith.extui %lt3A_111 : i1 to i32
    %cond3A = arith.constant 0 : i32
    %cond3A_112 = arith.cmpi ne, %convert_element_type3A, %cond3A : i32
    scf.if %cond3A_112 {
      %mul3A_113 = arith.constant 128 : i32
      %mul3A_114 = arith.muli %add3A, %mul3A_113 : i32
      %add3A_115 = arith.constant 159744 : i32
      %add3A_116 = arith.addi %add3A_115, %mul3A_114 : i32
      "tpu.region"() ({
        %run_scoped3A = tpu.sem_alloc : memref<!tpu.dma_semaphore, #tpu.memory_space<semaphore_mem>>
        %dma_start3A_123 = tpu.memref_slice %arg3[%add3A_116] : memref<160000xi32, #tpu.memory_space<hbm>> -> memref<128xi32, #tpu.memory_space<hbm>>
        %dma_start3A_124 = tpu.memref_slice %arg3[%add3A_116] : memref<160000xi32, #tpu.memory_space<hbm>> -> memref<128xi32, #tpu.memory_space<hbm>>
        tpu.enqueue_dma source(%dma_start3A_124 : memref<128xi32, #tpu.memory_space<hbm>>) target(%arg9 : memref<128xi32, #tpu.memory_space<vmem>>) target_semaphore(%run_scoped3A : memref<!tpu.dma_semaphore, #tpu.memory_space<semaphore_mem>>)
        %dma_wait3A_125 = tpu.memref_slice %arg3[%add3A_116] : memref<160000xi32, #tpu.memory_space<hbm>> -> memref<128xi32, #tpu.memory_space<hbm>>
        %dma_wait3A_126 = tpu.memref_slice %arg3[%add3A_116] : memref<160000xi32, #tpu.memory_space<hbm>> -> memref<128xi32, #tpu.memory_space<hbm>>
        tpu.wait_dma2 semaphore(%run_scoped3A : memref<!tpu.dma_semaphore, #tpu.memory_space<semaphore_mem>>) src(%dma_wait3A_126 : memref<128xi32, #tpu.memory_space<hbm>>) dst(%arg9 : memref<128xi32, #tpu.memory_space<vmem>>)
        tpu.yield
      }) : () -> ()
      %dma_start3A_117 = arith.constant 0 : i32
      %dma_start3A_118 = arith.constant 0 : i32
      %dma_start3A_119 = tpu.memref_slice %arg2[%dma_start3A_117, %dma_start3A_118] : memref<10000x32xf32, #tpu.memory_space<hbm>> -> memref<10000x32xf32, #tpu.memory_space<hbm>>
      tpu.enqueue_indirect_dma source(%dma_start3A_119 : memref<10000x32xf32, #tpu.memory_space<hbm>>) target(%arg10 : memref<128x32xf32, #tpu.memory_space<vmem>>) offsets(%arg9 : memref<128xi32, #tpu.memory_space<vmem>>) semaphore(%arg13 : memref<!tpu.dma_semaphore, #tpu.memory_space<semaphore_mem>>)
      %dma_wait3A_120 = arith.constant 0 : i32
      %dma_wait3A_121 = arith.constant 0 : i32
      %dma_wait3A_122 = tpu.memref_slice %arg2[%dma_wait3A_120, %dma_wait3A_121] : memref<10000x32xf32, #tpu.memory_space<hbm>> -> memref<10000x32xf32, #tpu.memory_space<hbm>>
      tpu.wait_indirect_dma semaphore(%arg13 : memref<!tpu.dma_semaphore, #tpu.memory_space<semaphore_mem>>) src(%dma_wait3A_122 : memref<10000x32xf32, #tpu.memory_space<hbm>>) dst(%arg10 : memref<128x32xf32, #tpu.memory_space<vmem>>)
      "tpu.region"() ({
        %run_scoped3A = tpu.sem_alloc : memref<!tpu.dma_semaphore, #tpu.memory_space<semaphore_mem>>
        %dma_start3A_123 = arith.constant 0 : i32
        %dma_start3A_124 = tpu.memref_slice %arg4[%add3A_116, %dma_start3A_123] : memref<160000x32xf32, #tpu.memory_space<hbm>> -> memref<128x32xf32, #tpu.memory_space<hbm>>
        %dma_start3A_125 = arith.constant 0 : i32
        %dma_start3A_126 = tpu.memref_slice %arg4[%add3A_116, %dma_start3A_125] : memref<160000x32xf32, #tpu.memory_space<hbm>> -> memref<128x32xf32, #tpu.memory_space<hbm>>
        tpu.enqueue_dma source(%arg10 : memref<128x32xf32, #tpu.memory_space<vmem>>) target(%dma_start3A_126 : memref<128x32xf32, #tpu.memory_space<hbm>>) target_semaphore(%run_scoped3A : memref<!tpu.dma_semaphore, #tpu.memory_space<semaphore_mem>>)
        %dma_wait3A_127 = arith.constant 0 : i32
        %dma_wait3A_128 = tpu.memref_slice %arg4[%add3A_116, %dma_wait3A_127] : memref<160000x32xf32, #tpu.memory_space<hbm>> -> memref<128x32xf32, #tpu.memory_space<hbm>>
        %dma_wait3A_129 = arith.constant 0 : i32
        %dma_wait3A_130 = tpu.memref_slice %arg4[%add3A_116, %dma_wait3A_129] : memref<160000x32xf32, #tpu.memory_space<hbm>> -> memref<128x32xf32, #tpu.memory_space<hbm>>
        tpu.wait_dma2 semaphore(%run_scoped3A : memref<!tpu.dma_semaphore, #tpu.memory_space<semaphore_mem>>) src(%arg10 : memref<128x32xf32, #tpu.memory_space<vmem>>) dst(%dma_wait3A_130 : memref<128x32xf32, #tpu.memory_space<hbm>>)
        tpu.yield
      }) : () -> ()
    } else {
    }
    return
  }
}

#map = affine_map<(d0, d1) -> (0, 0)>
#map1 = affine_map<(d0, d1) -> (0)>
#map2 = affine_map<(d0, d1) -> (0, 0, 0)>
module attributes {stable_mosaic.version = 14 : i64} {
  func.func @scatter_k(%arg0: i32, %arg1: i32, %arg2: memref<160000x32xf32, #tpu.memory_space<hbm>>, %arg3: memref<160000xi32, #tpu.memory_space<hbm>>, %arg4: memref<10000x32xf32, #tpu.memory_space<hbm>>, %arg5: memref<2x10000x32xf32, #tpu.memory_space<hbm>>, %arg6: memref<624xi32, #tpu.memory_space<vmem>>, %arg7: memref<624xi32, #tpu.memory_space<vmem>>, %arg8: memref<624x32xf32, #tpu.memory_space<vmem>>, %arg9: memref<624x32xf32, #tpu.memory_space<vmem>>, %arg10: memref<128xi32, #tpu.memory_space<vmem>>, %arg11: memref<128x32xf32, #tpu.memory_space<vmem>>, %arg12: memref<10000x32xf32, #tpu.memory_space<vmem_shared>>, %arg13: memref<!tpu.dma_semaphore, #tpu.memory_space<semaphore_mem>>, %arg14: memref<!tpu.dma_semaphore, #tpu.memory_space<semaphore_mem>>, %arg15: memref<!tpu.dma_semaphore, #tpu.memory_space<semaphore_mem>>, %arg16: memref<!tpu.dma_semaphore, #tpu.memory_space<semaphore_mem>>) attributes {dimension_semantics = [#tpu.dimension_semantics<core_parallel>, #tpu.dimension_semantics<subcore_parallel>], iteration_bounds = array<i64: 2, 16>, scalar_prefetch = 0 : i64, scratch_operands = 11 : i64, tpu.core_type = #tpu.core_type<sc_vector_subcore>, window_params = [{transform_indices = #map}, {transform_indices = #map1}, {transform_indices = #map}, {transform_indices = #map2}]} {
    %mul3A = arith.constant 2 : i32
    %mul3A_0 = arith.muli %arg1, %mul3A : i32
    %add3A = arith.addi %mul3A_0, %arg0 : i32
    %mul3A_1 = arith.constant 4992 : i32
    %mul3A_2 = arith.muli %add3A, %mul3A_1 : i32
    %mul3A_3 = arith.constant 625 : i32
    %mul3A_4 = arith.muli %arg1, %mul3A_3 : i32
    %mul3A_5 = arith.constant 625 : i32
    %mul3A_6 = arith.muli %arg1, %mul3A_5 : i32
    "tpu.region"() ({
      %run_scoped3A = tpu.sem_alloc : memref<!tpu.dma_semaphore, #tpu.memory_space<semaphore_mem>>
      %dma_start3A_122 = arith.constant 0 : i32
      %dma_start3A_123 = tpu.memref_slice %arg12[%mul3A_6, %dma_start3A_122] : memref<10000x32xf32, #tpu.memory_space<vmem_shared>> -> memref<625x32xf32, #tpu.memory_space<vmem_shared>>
      %dma_start3A_124 = arith.constant 0 : i32
      %dma_start3A_125 = tpu.memref_slice %arg4[%mul3A_4, %dma_start3A_124] : memref<10000x32xf32, #tpu.memory_space<hbm>> -> memref<625x32xf32, #tpu.memory_space<hbm>>
      tpu.enqueue_dma source(%dma_start3A_125 : memref<625x32xf32, #tpu.memory_space<hbm>>) target(%dma_start3A_123 : memref<625x32xf32, #tpu.memory_space<vmem_shared>>) target_semaphore(%run_scoped3A : memref<!tpu.dma_semaphore, #tpu.memory_space<semaphore_mem>>)
      %dma_wait3A_126 = arith.constant 0 : i32
      %dma_wait3A_127 = tpu.memref_slice %arg12[%mul3A_6, %dma_wait3A_126] : memref<10000x32xf32, #tpu.memory_space<vmem_shared>> -> memref<625x32xf32, #tpu.memory_space<vmem_shared>>
      %dma_wait3A_128 = arith.constant 0 : i32
      %dma_wait3A_129 = tpu.memref_slice %arg4[%mul3A_4, %dma_wait3A_128] : memref<10000x32xf32, #tpu.memory_space<hbm>> -> memref<625x32xf32, #tpu.memory_space<hbm>>
      tpu.wait_dma2 semaphore(%run_scoped3A : memref<!tpu.dma_semaphore, #tpu.memory_space<semaphore_mem>>) src(%dma_wait3A_129 : memref<625x32xf32, #tpu.memory_space<hbm>>) dst(%dma_wait3A_127 : memref<625x32xf32, #tpu.memory_space<vmem_shared>>)
      tpu.yield
    }) : () -> ()
    %barrier3A = arith.constant 0 : index
    tpu.barrier barrier_id(%barrier3A)
    %dma_start3A = tpu.memref_slice %arg3[%mul3A_2] : memref<160000xi32, #tpu.memory_space<hbm>> -> memref<624xi32, #tpu.memory_space<hbm>>
    %dma_start3A_7 = tpu.memref_slice %arg3[%mul3A_2] : memref<160000xi32, #tpu.memory_space<hbm>> -> memref<624xi32, #tpu.memory_space<hbm>>
    tpu.enqueue_dma source(%dma_start3A_7 : memref<624xi32, #tpu.memory_space<hbm>>) target(%arg6 : memref<624xi32, #tpu.memory_space<vmem>>) target_semaphore(%arg13 : memref<!tpu.dma_semaphore, #tpu.memory_space<semaphore_mem>>)
    %dma_start3A_8 = arith.constant 0 : i32
    %dma_start3A_9 = tpu.memref_slice %arg2[%mul3A_2, %dma_start3A_8] : memref<160000x32xf32, #tpu.memory_space<hbm>> -> memref<624x32xf32, #tpu.memory_space<hbm>>
    %dma_start3A_10 = arith.constant 0 : i32
    %dma_start3A_11 = tpu.memref_slice %arg2[%mul3A_2, %dma_start3A_10] : memref<160000x32xf32, #tpu.memory_space<hbm>> -> memref<624x32xf32, #tpu.memory_space<hbm>>
    tpu.enqueue_dma source(%dma_start3A_11 : memref<624x32xf32, #tpu.memory_space<hbm>>) target(%arg8 : memref<624x32xf32, #tpu.memory_space<vmem>>) target_semaphore(%arg15 : memref<!tpu.dma_semaphore, #tpu.memory_space<semaphore_mem>>)
    %add3A_12 = arith.constant 624 : i32
    %add3A_13 = arith.addi %mul3A_2, %add3A_12 : i32
    %dma_start3A_14 = tpu.memref_slice %arg3[%add3A_13] : memref<160000xi32, #tpu.memory_space<hbm>> -> memref<624xi32, #tpu.memory_space<hbm>>
    %dma_start3A_15 = tpu.memref_slice %arg3[%add3A_13] : memref<160000xi32, #tpu.memory_space<hbm>> -> memref<624xi32, #tpu.memory_space<hbm>>
    tpu.enqueue_dma source(%dma_start3A_15 : memref<624xi32, #tpu.memory_space<hbm>>) target(%arg7 : memref<624xi32, #tpu.memory_space<vmem>>) target_semaphore(%arg14 : memref<!tpu.dma_semaphore, #tpu.memory_space<semaphore_mem>>)
    %dma_start3A_16 = arith.constant 0 : i32
    %dma_start3A_17 = tpu.memref_slice %arg2[%add3A_13, %dma_start3A_16] : memref<160000x32xf32, #tpu.memory_space<hbm>> -> memref<624x32xf32, #tpu.memory_space<hbm>>
    %dma_start3A_18 = arith.constant 0 : i32
    %dma_start3A_19 = tpu.memref_slice %arg2[%add3A_13, %dma_start3A_18] : memref<160000x32xf32, #tpu.memory_space<hbm>> -> memref<624x32xf32, #tpu.memory_space<hbm>>
    tpu.enqueue_dma source(%dma_start3A_19 : memref<624x32xf32, #tpu.memory_space<hbm>>) target(%arg9 : memref<624x32xf32, #tpu.memory_space<vmem>>) target_semaphore(%arg16 : memref<!tpu.dma_semaphore, #tpu.memory_space<semaphore_mem>>)
    %dma_wait3A = tpu.memref_slice %arg3[%mul3A_2] : memref<160000xi32, #tpu.memory_space<hbm>> -> memref<624xi32, #tpu.memory_space<hbm>>
    %dma_wait3A_20 = tpu.memref_slice %arg3[%mul3A_2] : memref<160000xi32, #tpu.memory_space<hbm>> -> memref<624xi32, #tpu.memory_space<hbm>>
    tpu.wait_dma2 semaphore(%arg13 : memref<!tpu.dma_semaphore, #tpu.memory_space<semaphore_mem>>) src(%dma_wait3A_20 : memref<624xi32, #tpu.memory_space<hbm>>) dst(%arg6 : memref<624xi32, #tpu.memory_space<vmem>>)
    %dma_wait3A_21 = arith.constant 0 : i32
    %dma_wait3A_22 = tpu.memref_slice %arg2[%mul3A_2, %dma_wait3A_21] : memref<160000x32xf32, #tpu.memory_space<hbm>> -> memref<624x32xf32, #tpu.memory_space<hbm>>
    %dma_wait3A_23 = arith.constant 0 : i32
    %dma_wait3A_24 = tpu.memref_slice %arg2[%mul3A_2, %dma_wait3A_23] : memref<160000x32xf32, #tpu.memory_space<hbm>> -> memref<624x32xf32, #tpu.memory_space<hbm>>
    tpu.wait_dma2 semaphore(%arg15 : memref<!tpu.dma_semaphore, #tpu.memory_space<semaphore_mem>>) src(%dma_wait3A_24 : memref<624x32xf32, #tpu.memory_space<hbm>>) dst(%arg8 : memref<624x32xf32, #tpu.memory_space<vmem>>)
    "tpu.region"() ({
      %run_scoped3A = tpu.sem_alloc : memref<!tpu.dma_semaphore, #tpu.memory_space<semaphore_mem>>
      %dma_start3A_122 = arith.constant 0 : i32
      %dma_start3A_123 = arith.constant 0 : i32
      %dma_start3A_124 = tpu.memref_slice %arg12[%dma_start3A_122, %dma_start3A_123] : memref<10000x32xf32, #tpu.memory_space<vmem_shared>> -> memref<10000x32xf32, #tpu.memory_space<vmem_shared>>
      tpu.enqueue_indirect_dma source(%arg8 : memref<624x32xf32, #tpu.memory_space<vmem>>) target(%dma_start3A_124 : memref<10000x32xf32, #tpu.memory_space<vmem_shared>>) offsets(%arg6 : memref<624xi32, #tpu.memory_space<vmem>>) semaphore(%run_scoped3A : memref<!tpu.dma_semaphore, #tpu.memory_space<semaphore_mem>>) {add = true}
      %dma_wait3A_125 = arith.constant 0 : i32
      %dma_wait3A_126 = arith.constant 0 : i32
      %dma_wait3A_127 = tpu.memref_slice %arg12[%dma_wait3A_125, %dma_wait3A_126] : memref<10000x32xf32, #tpu.memory_space<vmem_shared>> -> memref<10000x32xf32, #tpu.memory_space<vmem_shared>>
      tpu.wait_indirect_dma semaphore(%run_scoped3A : memref<!tpu.dma_semaphore, #tpu.memory_space<semaphore_mem>>) src(%arg8 : memref<624x32xf32, #tpu.memory_space<vmem>>) dst(%dma_wait3A_127 : memref<10000x32xf32, #tpu.memory_space<vmem_shared>>)
      tpu.yield
    }) : () -> ()
    %add3A_25 = arith.constant 1248 : i32
    %add3A_26 = arith.addi %mul3A_2, %add3A_25 : i32
    %dma_start3A_27 = tpu.memref_slice %arg3[%add3A_26] : memref<160000xi32, #tpu.memory_space<hbm>> -> memref<624xi32, #tpu.memory_space<hbm>>
    %dma_start3A_28 = tpu.memref_slice %arg3[%add3A_26] : memref<160000xi32, #tpu.memory_space<hbm>> -> memref<624xi32, #tpu.memory_space<hbm>>
    tpu.enqueue_dma source(%dma_start3A_28 : memref<624xi32, #tpu.memory_space<hbm>>) target(%arg6 : memref<624xi32, #tpu.memory_space<vmem>>) target_semaphore(%arg13 : memref<!tpu.dma_semaphore, #tpu.memory_space<semaphore_mem>>)
    %dma_start3A_29 = arith.constant 0 : i32
    %dma_start3A_30 = tpu.memref_slice %arg2[%add3A_26, %dma_start3A_29] : memref<160000x32xf32, #tpu.memory_space<hbm>> -> memref<624x32xf32, #tpu.memory_space<hbm>>
    %dma_start3A_31 = arith.constant 0 : i32
    %dma_start3A_32 = tpu.memref_slice %arg2[%add3A_26, %dma_start3A_31] : memref<160000x32xf32, #tpu.memory_space<hbm>> -> memref<624x32xf32, #tpu.memory_space<hbm>>
    tpu.enqueue_dma source(%dma_start3A_32 : memref<624x32xf32, #tpu.memory_space<hbm>>) target(%arg8 : memref<624x32xf32, #tpu.memory_space<vmem>>) target_semaphore(%arg15 : memref<!tpu.dma_semaphore, #tpu.memory_space<semaphore_mem>>)
    %dma_wait3A_33 = tpu.memref_slice %arg3[%add3A_13] : memref<160000xi32, #tpu.memory_space<hbm>> -> memref<624xi32, #tpu.memory_space<hbm>>
    %dma_wait3A_34 = tpu.memref_slice %arg3[%add3A_13] : memref<160000xi32, #tpu.memory_space<hbm>> -> memref<624xi32, #tpu.memory_space<hbm>>
    tpu.wait_dma2 semaphore(%arg14 : memref<!tpu.dma_semaphore, #tpu.memory_space<semaphore_mem>>) src(%dma_wait3A_34 : memref<624xi32, #tpu.memory_space<hbm>>) dst(%arg7 : memref<624xi32, #tpu.memory_space<vmem>>)
    %dma_wait3A_35 = arith.constant 0 : i32
    %dma_wait3A_36 = tpu.memref_slice %arg2[%add3A_13, %dma_wait3A_35] : memref<160000x32xf32, #tpu.memory_space<hbm>> -> memref<624x32xf32, #tpu.memory_space<hbm>>
    %dma_wait3A_37 = arith.constant 0 : i32
    %dma_wait3A_38 = tpu.memref_slice %arg2[%add3A_13, %dma_wait3A_37] : memref<160000x32xf32, #tpu.memory_space<hbm>> -> memref<624x32xf32, #tpu.memory_space<hbm>>
    tpu.wait_dma2 semaphore(%arg16 : memref<!tpu.dma_semaphore, #tpu.memory_space<semaphore_mem>>) src(%dma_wait3A_38 : memref<624x32xf32, #tpu.memory_space<hbm>>) dst(%arg9 : memref<624x32xf32, #tpu.memory_space<vmem>>)
    "tpu.region"() ({
      %run_scoped3A = tpu.sem_alloc : memref<!tpu.dma_semaphore, #tpu.memory_space<semaphore_mem>>
      %dma_start3A_122 = arith.constant 0 : i32
      %dma_start3A_123 = arith.constant 0 : i32
      %dma_start3A_124 = tpu.memref_slice %arg12[%dma_start3A_122, %dma_start3A_123] : memref<10000x32xf32, #tpu.memory_space<vmem_shared>> -> memref<10000x32xf32, #tpu.memory_space<vmem_shared>>
      tpu.enqueue_indirect_dma source(%arg9 : memref<624x32xf32, #tpu.memory_space<vmem>>) target(%dma_start3A_124 : memref<10000x32xf32, #tpu.memory_space<vmem_shared>>) offsets(%arg7 : memref<624xi32, #tpu.memory_space<vmem>>) semaphore(%run_scoped3A : memref<!tpu.dma_semaphore, #tpu.memory_space<semaphore_mem>>) {add = true}
      %dma_wait3A_125 = arith.constant 0 : i32
      %dma_wait3A_126 = arith.constant 0 : i32
      %dma_wait3A_127 = tpu.memref_slice %arg12[%dma_wait3A_125, %dma_wait3A_126] : memref<10000x32xf32, #tpu.memory_space<vmem_shared>> -> memref<10000x32xf32, #tpu.memory_space<vmem_shared>>
      tpu.wait_indirect_dma semaphore(%run_scoped3A : memref<!tpu.dma_semaphore, #tpu.memory_space<semaphore_mem>>) src(%arg9 : memref<624x32xf32, #tpu.memory_space<vmem>>) dst(%dma_wait3A_127 : memref<10000x32xf32, #tpu.memory_space<vmem_shared>>)
      tpu.yield
    }) : () -> ()
    %add3A_39 = arith.constant 1872 : i32
    %add3A_40 = arith.addi %mul3A_2, %add3A_39 : i32
    %dma_start3A_41 = tpu.memref_slice %arg3[%add3A_40] : memref<160000xi32, #tpu.memory_space<hbm>> -> memref<624xi32, #tpu.memory_space<hbm>>
    %dma_start3A_42 = tpu.memref_slice %arg3[%add3A_40] : memref<160000xi32, #tpu.memory_space<hbm>> -> memref<624xi32, #tpu.memory_space<hbm>>
    tpu.enqueue_dma source(%dma_start3A_42 : memref<624xi32, #tpu.memory_space<hbm>>) target(%arg7 : memref<624xi32, #tpu.memory_space<vmem>>) target_semaphore(%arg14 : memref<!tpu.dma_semaphore, #tpu.memory_space<semaphore_mem>>)
    %dma_start3A_43 = arith.constant 0 : i32
    %dma_start3A_44 = tpu.memref_slice %arg2[%add3A_40, %dma_start3A_43] : memref<160000x32xf32, #tpu.memory_space<hbm>> -> memref<624x32xf32, #tpu.memory_space<hbm>>
    %dma_start3A_45 = arith.constant 0 : i32
    %dma_start3A_46 = tpu.memref_slice %arg2[%add3A_40, %dma_start3A_45] : memref<160000x32xf32, #tpu.memory_space<hbm>> -> memref<624x32xf32, #tpu.memory_space<hbm>>
    tpu.enqueue_dma source(%dma_start3A_46 : memref<624x32xf32, #tpu.memory_space<hbm>>) target(%arg9 : memref<624x32xf32, #tpu.memory_space<vmem>>) target_semaphore(%arg16 : memref<!tpu.dma_semaphore, #tpu.memory_space<semaphore_mem>>)
    %dma_wait3A_47 = tpu.memref_slice %arg3[%add3A_26] : memref<160000xi32, #tpu.memory_space<hbm>> -> memref<624xi32, #tpu.memory_space<hbm>>
    %dma_wait3A_48 = tpu.memref_slice %arg3[%add3A_26] : memref<160000xi32, #tpu.memory_space<hbm>> -> memref<624xi32, #tpu.memory_space<hbm>>
    tpu.wait_dma2 semaphore(%arg13 : memref<!tpu.dma_semaphore, #tpu.memory_space<semaphore_mem>>) src(%dma_wait3A_48 : memref<624xi32, #tpu.memory_space<hbm>>) dst(%arg6 : memref<624xi32, #tpu.memory_space<vmem>>)
    %dma_wait3A_49 = arith.constant 0 : i32
    %dma_wait3A_50 = tpu.memref_slice %arg2[%add3A_26, %dma_wait3A_49] : memref<160000x32xf32, #tpu.memory_space<hbm>> -> memref<624x32xf32, #tpu.memory_space<hbm>>
    %dma_wait3A_51 = arith.constant 0 : i32
    %dma_wait3A_52 = tpu.memref_slice %arg2[%add3A_26, %dma_wait3A_51] : memref<160000x32xf32, #tpu.memory_space<hbm>> -> memref<624x32xf32, #tpu.memory_space<hbm>>
    tpu.wait_dma2 semaphore(%arg15 : memref<!tpu.dma_semaphore, #tpu.memory_space<semaphore_mem>>) src(%dma_wait3A_52 : memref<624x32xf32, #tpu.memory_space<hbm>>) dst(%arg8 : memref<624x32xf32, #tpu.memory_space<vmem>>)
    "tpu.region"() ({
      %run_scoped3A = tpu.sem_alloc : memref<!tpu.dma_semaphore, #tpu.memory_space<semaphore_mem>>
      %dma_start3A_122 = arith.constant 0 : i32
      %dma_start3A_123 = arith.constant 0 : i32
      %dma_start3A_124 = tpu.memref_slice %arg12[%dma_start3A_122, %dma_start3A_123] : memref<10000x32xf32, #tpu.memory_space<vmem_shared>> -> memref<10000x32xf32, #tpu.memory_space<vmem_shared>>
      tpu.enqueue_indirect_dma source(%arg8 : memref<624x32xf32, #tpu.memory_space<vmem>>) target(%dma_start3A_124 : memref<10000x32xf32, #tpu.memory_space<vmem_shared>>) offsets(%arg6 : memref<624xi32, #tpu.memory_space<vmem>>) semaphore(%run_scoped3A : memref<!tpu.dma_semaphore, #tpu.memory_space<semaphore_mem>>) {add = true}
      %dma_wait3A_125 = arith.constant 0 : i32
      %dma_wait3A_126 = arith.constant 0 : i32
      %dma_wait3A_127 = tpu.memref_slice %arg12[%dma_wait3A_125, %dma_wait3A_126] : memref<10000x32xf32, #tpu.memory_space<vmem_shared>> -> memref<10000x32xf32, #tpu.memory_space<vmem_shared>>
      tpu.wait_indirect_dma semaphore(%run_scoped3A : memref<!tpu.dma_semaphore, #tpu.memory_space<semaphore_mem>>) src(%arg8 : memref<624x32xf32, #tpu.memory_space<vmem>>) dst(%dma_wait3A_127 : memref<10000x32xf32, #tpu.memory_space<vmem_shared>>)
      tpu.yield
    }) : () -> ()
    %add3A_53 = arith.constant 2496 : i32
    %add3A_54 = arith.addi %mul3A_2, %add3A_53 : i32
    %dma_start3A_55 = tpu.memref_slice %arg3[%add3A_54] : memref<160000xi32, #tpu.memory_space<hbm>> -> memref<624xi32, #tpu.memory_space<hbm>>
    %dma_start3A_56 = tpu.memref_slice %arg3[%add3A_54] : memref<160000xi32, #tpu.memory_space<hbm>> -> memref<624xi32, #tpu.memory_space<hbm>>
    tpu.enqueue_dma source(%dma_start3A_56 : memref<624xi32, #tpu.memory_space<hbm>>) target(%arg6 : memref<624xi32, #tpu.memory_space<vmem>>) target_semaphore(%arg13 : memref<!tpu.dma_semaphore, #tpu.memory_space<semaphore_mem>>)
    %dma_start3A_57 = arith.constant 0 : i32
    %dma_start3A_58 = tpu.memref_slice %arg2[%add3A_54, %dma_start3A_57] : memref<160000x32xf32, #tpu.memory_space<hbm>> -> memref<624x32xf32, #tpu.memory_space<hbm>>
    %dma_start3A_59 = arith.constant 0 : i32
    %dma_start3A_60 = tpu.memref_slice %arg2[%add3A_54, %dma_start3A_59] : memref<160000x32xf32, #tpu.memory_space<hbm>> -> memref<624x32xf32, #tpu.memory_space<hbm>>
    tpu.enqueue_dma source(%dma_start3A_60 : memref<624x32xf32, #tpu.memory_space<hbm>>) target(%arg8 : memref<624x32xf32, #tpu.memory_space<vmem>>) target_semaphore(%arg15 : memref<!tpu.dma_semaphore, #tpu.memory_space<semaphore_mem>>)
    %dma_wait3A_61 = tpu.memref_slice %arg3[%add3A_40] : memref<160000xi32, #tpu.memory_space<hbm>> -> memref<624xi32, #tpu.memory_space<hbm>>
    %dma_wait3A_62 = tpu.memref_slice %arg3[%add3A_40] : memref<160000xi32, #tpu.memory_space<hbm>> -> memref<624xi32, #tpu.memory_space<hbm>>
    tpu.wait_dma2 semaphore(%arg14 : memref<!tpu.dma_semaphore, #tpu.memory_space<semaphore_mem>>) src(%dma_wait3A_62 : memref<624xi32, #tpu.memory_space<hbm>>) dst(%arg7 : memref<624xi32, #tpu.memory_space<vmem>>)
    %dma_wait3A_63 = arith.constant 0 : i32
    %dma_wait3A_64 = tpu.memref_slice %arg2[%add3A_40, %dma_wait3A_63] : memref<160000x32xf32, #tpu.memory_space<hbm>> -> memref<624x32xf32, #tpu.memory_space<hbm>>
    %dma_wait3A_65 = arith.constant 0 : i32
    %dma_wait3A_66 = tpu.memref_slice %arg2[%add3A_40, %dma_wait3A_65] : memref<160000x32xf32, #tpu.memory_space<hbm>> -> memref<624x32xf32, #tpu.memory_space<hbm>>
    tpu.wait_dma2 semaphore(%arg16 : memref<!tpu.dma_semaphore, #tpu.memory_space<semaphore_mem>>) src(%dma_wait3A_66 : memref<624x32xf32, #tpu.memory_space<hbm>>) dst(%arg9 : memref<624x32xf32, #tpu.memory_space<vmem>>)
    "tpu.region"() ({
      %run_scoped3A = tpu.sem_alloc : memref<!tpu.dma_semaphore, #tpu.memory_space<semaphore_mem>>
      %dma_start3A_122 = arith.constant 0 : i32
      %dma_start3A_123 = arith.constant 0 : i32
      %dma_start3A_124 = tpu.memref_slice %arg12[%dma_start3A_122, %dma_start3A_123] : memref<10000x32xf32, #tpu.memory_space<vmem_shared>> -> memref<10000x32xf32, #tpu.memory_space<vmem_shared>>
      tpu.enqueue_indirect_dma source(%arg9 : memref<624x32xf32, #tpu.memory_space<vmem>>) target(%dma_start3A_124 : memref<10000x32xf32, #tpu.memory_space<vmem_shared>>) offsets(%arg7 : memref<624xi32, #tpu.memory_space<vmem>>) semaphore(%run_scoped3A : memref<!tpu.dma_semaphore, #tpu.memory_space<semaphore_mem>>) {add = true}
      %dma_wait3A_125 = arith.constant 0 : i32
      %dma_wait3A_126 = arith.constant 0 : i32
      %dma_wait3A_127 = tpu.memref_slice %arg12[%dma_wait3A_125, %dma_wait3A_126] : memref<10000x32xf32, #tpu.memory_space<vmem_shared>> -> memref<10000x32xf32, #tpu.memory_space<vmem_shared>>
      tpu.wait_indirect_dma semaphore(%run_scoped3A : memref<!tpu.dma_semaphore, #tpu.memory_space<semaphore_mem>>) src(%arg9 : memref<624x32xf32, #tpu.memory_space<vmem>>) dst(%dma_wait3A_127 : memref<10000x32xf32, #tpu.memory_space<vmem_shared>>)
      tpu.yield
    }) : () -> ()
    %add3A_67 = arith.constant 3120 : i32
    %add3A_68 = arith.addi %mul3A_2, %add3A_67 : i32
    %dma_start3A_69 = tpu.memref_slice %arg3[%add3A_68] : memref<160000xi32, #tpu.memory_space<hbm>> -> memref<624xi32, #tpu.memory_space<hbm>>
    %dma_start3A_70 = tpu.memref_slice %arg3[%add3A_68] : memref<160000xi32, #tpu.memory_space<hbm>> -> memref<624xi32, #tpu.memory_space<hbm>>
    tpu.enqueue_dma source(%dma_start3A_70 : memref<624xi32, #tpu.memory_space<hbm>>) target(%arg7 : memref<624xi32, #tpu.memory_space<vmem>>) target_semaphore(%arg14 : memref<!tpu.dma_semaphore, #tpu.memory_space<semaphore_mem>>)
    %dma_start3A_71 = arith.constant 0 : i32
    %dma_start3A_72 = tpu.memref_slice %arg2[%add3A_68, %dma_start3A_71] : memref<160000x32xf32, #tpu.memory_space<hbm>> -> memref<624x32xf32, #tpu.memory_space<hbm>>
    %dma_start3A_73 = arith.constant 0 : i32
    %dma_start3A_74 = tpu.memref_slice %arg2[%add3A_68, %dma_start3A_73] : memref<160000x32xf32, #tpu.memory_space<hbm>> -> memref<624x32xf32, #tpu.memory_space<hbm>>
    tpu.enqueue_dma source(%dma_start3A_74 : memref<624x32xf32, #tpu.memory_space<hbm>>) target(%arg9 : memref<624x32xf32, #tpu.memory_space<vmem>>) target_semaphore(%arg16 : memref<!tpu.dma_semaphore, #tpu.memory_space<semaphore_mem>>)
    %dma_wait3A_75 = tpu.memref_slice %arg3[%add3A_54] : memref<160000xi32, #tpu.memory_space<hbm>> -> memref<624xi32, #tpu.memory_space<hbm>>
    %dma_wait3A_76 = tpu.memref_slice %arg3[%add3A_54] : memref<160000xi32, #tpu.memory_space<hbm>> -> memref<624xi32, #tpu.memory_space<hbm>>
    tpu.wait_dma2 semaphore(%arg13 : memref<!tpu.dma_semaphore, #tpu.memory_space<semaphore_mem>>) src(%dma_wait3A_76 : memref<624xi32, #tpu.memory_space<hbm>>) dst(%arg6 : memref<624xi32, #tpu.memory_space<vmem>>)
    %dma_wait3A_77 = arith.constant 0 : i32
    %dma_wait3A_78 = tpu.memref_slice %arg2[%add3A_54, %dma_wait3A_77] : memref<160000x32xf32, #tpu.memory_space<hbm>> -> memref<624x32xf32, #tpu.memory_space<hbm>>
    %dma_wait3A_79 = arith.constant 0 : i32
    %dma_wait3A_80 = tpu.memref_slice %arg2[%add3A_54, %dma_wait3A_79] : memref<160000x32xf32, #tpu.memory_space<hbm>> -> memref<624x32xf32, #tpu.memory_space<hbm>>
    tpu.wait_dma2 semaphore(%arg15 : memref<!tpu.dma_semaphore, #tpu.memory_space<semaphore_mem>>) src(%dma_wait3A_80 : memref<624x32xf32, #tpu.memory_space<hbm>>) dst(%arg8 : memref<624x32xf32, #tpu.memory_space<vmem>>)
    "tpu.region"() ({
      %run_scoped3A = tpu.sem_alloc : memref<!tpu.dma_semaphore, #tpu.memory_space<semaphore_mem>>
      %dma_start3A_122 = arith.constant 0 : i32
      %dma_start3A_123 = arith.constant 0 : i32
      %dma_start3A_124 = tpu.memref_slice %arg12[%dma_start3A_122, %dma_start3A_123] : memref<10000x32xf32, #tpu.memory_space<vmem_shared>> -> memref<10000x32xf32, #tpu.memory_space<vmem_shared>>
      tpu.enqueue_indirect_dma source(%arg8 : memref<624x32xf32, #tpu.memory_space<vmem>>) target(%dma_start3A_124 : memref<10000x32xf32, #tpu.memory_space<vmem_shared>>) offsets(%arg6 : memref<624xi32, #tpu.memory_space<vmem>>) semaphore(%run_scoped3A : memref<!tpu.dma_semaphore, #tpu.memory_space<semaphore_mem>>) {add = true}
      %dma_wait3A_125 = arith.constant 0 : i32
      %dma_wait3A_126 = arith.constant 0 : i32
      %dma_wait3A_127 = tpu.memref_slice %arg12[%dma_wait3A_125, %dma_wait3A_126] : memref<10000x32xf32, #tpu.memory_space<vmem_shared>> -> memref<10000x32xf32, #tpu.memory_space<vmem_shared>>
      tpu.wait_indirect_dma semaphore(%run_scoped3A : memref<!tpu.dma_semaphore, #tpu.memory_space<semaphore_mem>>) src(%arg8 : memref<624x32xf32, #tpu.memory_space<vmem>>) dst(%dma_wait3A_127 : memref<10000x32xf32, #tpu.memory_space<vmem_shared>>)
      tpu.yield
    }) : () -> ()
    %add3A_81 = arith.constant 3744 : i32
    %add3A_82 = arith.addi %mul3A_2, %add3A_81 : i32
    %dma_start3A_83 = tpu.memref_slice %arg3[%add3A_82] : memref<160000xi32, #tpu.memory_space<hbm>> -> memref<624xi32, #tpu.memory_space<hbm>>
    %dma_start3A_84 = tpu.memref_slice %arg3[%add3A_82] : memref<160000xi32, #tpu.memory_space<hbm>> -> memref<624xi32, #tpu.memory_space<hbm>>
    tpu.enqueue_dma source(%dma_start3A_84 : memref<624xi32, #tpu.memory_space<hbm>>) target(%arg6 : memref<624xi32, #tpu.memory_space<vmem>>) target_semaphore(%arg13 : memref<!tpu.dma_semaphore, #tpu.memory_space<semaphore_mem>>)
    %dma_start3A_85 = arith.constant 0 : i32
    %dma_start3A_86 = tpu.memref_slice %arg2[%add3A_82, %dma_start3A_85] : memref<160000x32xf32, #tpu.memory_space<hbm>> -> memref<624x32xf32, #tpu.memory_space<hbm>>
    %dma_start3A_87 = arith.constant 0 : i32
    %dma_start3A_88 = tpu.memref_slice %arg2[%add3A_82, %dma_start3A_87] : memref<160000x32xf32, #tpu.memory_space<hbm>> -> memref<624x32xf32, #tpu.memory_space<hbm>>
    tpu.enqueue_dma source(%dma_start3A_88 : memref<624x32xf32, #tpu.memory_space<hbm>>) target(%arg8 : memref<624x32xf32, #tpu.memory_space<vmem>>) target_semaphore(%arg15 : memref<!tpu.dma_semaphore, #tpu.memory_space<semaphore_mem>>)
    %dma_wait3A_89 = tpu.memref_slice %arg3[%add3A_68] : memref<160000xi32, #tpu.memory_space<hbm>> -> memref<624xi32, #tpu.memory_space<hbm>>
    %dma_wait3A_90 = tpu.memref_slice %arg3[%add3A_68] : memref<160000xi32, #tpu.memory_space<hbm>> -> memref<624xi32, #tpu.memory_space<hbm>>
    tpu.wait_dma2 semaphore(%arg14 : memref<!tpu.dma_semaphore, #tpu.memory_space<semaphore_mem>>) src(%dma_wait3A_90 : memref<624xi32, #tpu.memory_space<hbm>>) dst(%arg7 : memref<624xi32, #tpu.memory_space<vmem>>)
    %dma_wait3A_91 = arith.constant 0 : i32
    %dma_wait3A_92 = tpu.memref_slice %arg2[%add3A_68, %dma_wait3A_91] : memref<160000x32xf32, #tpu.memory_space<hbm>> -> memref<624x32xf32, #tpu.memory_space<hbm>>
    %dma_wait3A_93 = arith.constant 0 : i32
    %dma_wait3A_94 = tpu.memref_slice %arg2[%add3A_68, %dma_wait3A_93] : memref<160000x32xf32, #tpu.memory_space<hbm>> -> memref<624x32xf32, #tpu.memory_space<hbm>>
    tpu.wait_dma2 semaphore(%arg16 : memref<!tpu.dma_semaphore, #tpu.memory_space<semaphore_mem>>) src(%dma_wait3A_94 : memref<624x32xf32, #tpu.memory_space<hbm>>) dst(%arg9 : memref<624x32xf32, #tpu.memory_space<vmem>>)
    "tpu.region"() ({
      %run_scoped3A = tpu.sem_alloc : memref<!tpu.dma_semaphore, #tpu.memory_space<semaphore_mem>>
      %dma_start3A_122 = arith.constant 0 : i32
      %dma_start3A_123 = arith.constant 0 : i32
      %dma_start3A_124 = tpu.memref_slice %arg12[%dma_start3A_122, %dma_start3A_123] : memref<10000x32xf32, #tpu.memory_space<vmem_shared>> -> memref<10000x32xf32, #tpu.memory_space<vmem_shared>>
      tpu.enqueue_indirect_dma source(%arg9 : memref<624x32xf32, #tpu.memory_space<vmem>>) target(%dma_start3A_124 : memref<10000x32xf32, #tpu.memory_space<vmem_shared>>) offsets(%arg7 : memref<624xi32, #tpu.memory_space<vmem>>) semaphore(%run_scoped3A : memref<!tpu.dma_semaphore, #tpu.memory_space<semaphore_mem>>) {add = true}
      %dma_wait3A_125 = arith.constant 0 : i32
      %dma_wait3A_126 = arith.constant 0 : i32
      %dma_wait3A_127 = tpu.memref_slice %arg12[%dma_wait3A_125, %dma_wait3A_126] : memref<10000x32xf32, #tpu.memory_space<vmem_shared>> -> memref<10000x32xf32, #tpu.memory_space<vmem_shared>>
      tpu.wait_indirect_dma semaphore(%run_scoped3A : memref<!tpu.dma_semaphore, #tpu.memory_space<semaphore_mem>>) src(%arg9 : memref<624x32xf32, #tpu.memory_space<vmem>>) dst(%dma_wait3A_127 : memref<10000x32xf32, #tpu.memory_space<vmem_shared>>)
      tpu.yield
    }) : () -> ()
    %add3A_95 = arith.constant 4368 : i32
    %add3A_96 = arith.addi %mul3A_2, %add3A_95 : i32
    %dma_start3A_97 = tpu.memref_slice %arg3[%add3A_96] : memref<160000xi32, #tpu.memory_space<hbm>> -> memref<624xi32, #tpu.memory_space<hbm>>
    %dma_start3A_98 = tpu.memref_slice %arg3[%add3A_96] : memref<160000xi32, #tpu.memory_space<hbm>> -> memref<624xi32, #tpu.memory_space<hbm>>
    tpu.enqueue_dma source(%dma_start3A_98 : memref<624xi32, #tpu.memory_space<hbm>>) target(%arg7 : memref<624xi32, #tpu.memory_space<vmem>>) target_semaphore(%arg14 : memref<!tpu.dma_semaphore, #tpu.memory_space<semaphore_mem>>)
    %dma_start3A_99 = arith.constant 0 : i32
    %dma_start3A_100 = tpu.memref_slice %arg2[%add3A_96, %dma_start3A_99] : memref<160000x32xf32, #tpu.memory_space<hbm>> -> memref<624x32xf32, #tpu.memory_space<hbm>>
    %dma_start3A_101 = arith.constant 0 : i32
    %dma_start3A_102 = tpu.memref_slice %arg2[%add3A_96, %dma_start3A_101] : memref<160000x32xf32, #tpu.memory_space<hbm>> -> memref<624x32xf32, #tpu.memory_space<hbm>>
    tpu.enqueue_dma source(%dma_start3A_102 : memref<624x32xf32, #tpu.memory_space<hbm>>) target(%arg9 : memref<624x32xf32, #tpu.memory_space<vmem>>) target_semaphore(%arg16 : memref<!tpu.dma_semaphore, #tpu.memory_space<semaphore_mem>>)
    %dma_wait3A_103 = tpu.memref_slice %arg3[%add3A_82] : memref<160000xi32, #tpu.memory_space<hbm>> -> memref<624xi32, #tpu.memory_space<hbm>>
    %dma_wait3A_104 = tpu.memref_slice %arg3[%add3A_82] : memref<160000xi32, #tpu.memory_space<hbm>> -> memref<624xi32, #tpu.memory_space<hbm>>
    tpu.wait_dma2 semaphore(%arg13 : memref<!tpu.dma_semaphore, #tpu.memory_space<semaphore_mem>>) src(%dma_wait3A_104 : memref<624xi32, #tpu.memory_space<hbm>>) dst(%arg6 : memref<624xi32, #tpu.memory_space<vmem>>)
    %dma_wait3A_105 = arith.constant 0 : i32
    %dma_wait3A_106 = tpu.memref_slice %arg2[%add3A_82, %dma_wait3A_105] : memref<160000x32xf32, #tpu.memory_space<hbm>> -> memref<624x32xf32, #tpu.memory_space<hbm>>
    %dma_wait3A_107 = arith.constant 0 : i32
    %dma_wait3A_108 = tpu.memref_slice %arg2[%add3A_82, %dma_wait3A_107] : memref<160000x32xf32, #tpu.memory_space<hbm>> -> memref<624x32xf32, #tpu.memory_space<hbm>>
    tpu.wait_dma2 semaphore(%arg15 : memref<!tpu.dma_semaphore, #tpu.memory_space<semaphore_mem>>) src(%dma_wait3A_108 : memref<624x32xf32, #tpu.memory_space<hbm>>) dst(%arg8 : memref<624x32xf32, #tpu.memory_space<vmem>>)
    "tpu.region"() ({
      %run_scoped3A = tpu.sem_alloc : memref<!tpu.dma_semaphore, #tpu.memory_space<semaphore_mem>>
      %dma_start3A_122 = arith.constant 0 : i32
      %dma_start3A_123 = arith.constant 0 : i32
      %dma_start3A_124 = tpu.memref_slice %arg12[%dma_start3A_122, %dma_start3A_123] : memref<10000x32xf32, #tpu.memory_space<vmem_shared>> -> memref<10000x32xf32, #tpu.memory_space<vmem_shared>>
      tpu.enqueue_indirect_dma source(%arg8 : memref<624x32xf32, #tpu.memory_space<vmem>>) target(%dma_start3A_124 : memref<10000x32xf32, #tpu.memory_space<vmem_shared>>) offsets(%arg6 : memref<624xi32, #tpu.memory_space<vmem>>) semaphore(%run_scoped3A : memref<!tpu.dma_semaphore, #tpu.memory_space<semaphore_mem>>) {add = true}
      %dma_wait3A_125 = arith.constant 0 : i32
      %dma_wait3A_126 = arith.constant 0 : i32
      %dma_wait3A_127 = tpu.memref_slice %arg12[%dma_wait3A_125, %dma_wait3A_126] : memref<10000x32xf32, #tpu.memory_space<vmem_shared>> -> memref<10000x32xf32, #tpu.memory_space<vmem_shared>>
      tpu.wait_indirect_dma semaphore(%run_scoped3A : memref<!tpu.dma_semaphore, #tpu.memory_space<semaphore_mem>>) src(%arg8 : memref<624x32xf32, #tpu.memory_space<vmem>>) dst(%dma_wait3A_127 : memref<10000x32xf32, #tpu.memory_space<vmem_shared>>)
      tpu.yield
    }) : () -> ()
    %dma_wait3A_109 = tpu.memref_slice %arg3[%add3A_96] : memref<160000xi32, #tpu.memory_space<hbm>> -> memref<624xi32, #tpu.memory_space<hbm>>
    %dma_wait3A_110 = tpu.memref_slice %arg3[%add3A_96] : memref<160000xi32, #tpu.memory_space<hbm>> -> memref<624xi32, #tpu.memory_space<hbm>>
    tpu.wait_dma2 semaphore(%arg14 : memref<!tpu.dma_semaphore, #tpu.memory_space<semaphore_mem>>) src(%dma_wait3A_110 : memref<624xi32, #tpu.memory_space<hbm>>) dst(%arg7 : memref<624xi32, #tpu.memory_space<vmem>>)
    %dma_wait3A_111 = arith.constant 0 : i32
    %dma_wait3A_112 = tpu.memref_slice %arg2[%add3A_96, %dma_wait3A_111] : memref<160000x32xf32, #tpu.memory_space<hbm>> -> memref<624x32xf32, #tpu.memory_space<hbm>>
    %dma_wait3A_113 = arith.constant 0 : i32
    %dma_wait3A_114 = tpu.memref_slice %arg2[%add3A_96, %dma_wait3A_113] : memref<160000x32xf32, #tpu.memory_space<hbm>> -> memref<624x32xf32, #tpu.memory_space<hbm>>
    tpu.wait_dma2 semaphore(%arg16 : memref<!tpu.dma_semaphore, #tpu.memory_space<semaphore_mem>>) src(%dma_wait3A_114 : memref<624x32xf32, #tpu.memory_space<hbm>>) dst(%arg9 : memref<624x32xf32, #tpu.memory_space<vmem>>)
    "tpu.region"() ({
      %run_scoped3A = tpu.sem_alloc : memref<!tpu.dma_semaphore, #tpu.memory_space<semaphore_mem>>
      %dma_start3A_122 = arith.constant 0 : i32
      %dma_start3A_123 = arith.constant 0 : i32
      %dma_start3A_124 = tpu.memref_slice %arg12[%dma_start3A_122, %dma_start3A_123] : memref<10000x32xf32, #tpu.memory_space<vmem_shared>> -> memref<10000x32xf32, #tpu.memory_space<vmem_shared>>
      tpu.enqueue_indirect_dma source(%arg9 : memref<624x32xf32, #tpu.memory_space<vmem>>) target(%dma_start3A_124 : memref<10000x32xf32, #tpu.memory_space<vmem_shared>>) offsets(%arg7 : memref<624xi32, #tpu.memory_space<vmem>>) semaphore(%run_scoped3A : memref<!tpu.dma_semaphore, #tpu.memory_space<semaphore_mem>>) {add = true}
      %dma_wait3A_125 = arith.constant 0 : i32
      %dma_wait3A_126 = arith.constant 0 : i32
      %dma_wait3A_127 = tpu.memref_slice %arg12[%dma_wait3A_125, %dma_wait3A_126] : memref<10000x32xf32, #tpu.memory_space<vmem_shared>> -> memref<10000x32xf32, #tpu.memory_space<vmem_shared>>
      tpu.wait_indirect_dma semaphore(%run_scoped3A : memref<!tpu.dma_semaphore, #tpu.memory_space<semaphore_mem>>) src(%arg9 : memref<624x32xf32, #tpu.memory_space<vmem>>) dst(%dma_wait3A_127 : memref<10000x32xf32, #tpu.memory_space<vmem_shared>>)
      tpu.yield
    }) : () -> ()
    %lt3A = arith.constant 2 : i32
    %lt3A_115 = arith.cmpi slt, %add3A, %lt3A : i32
    %convert_element_type3A = arith.extui %lt3A_115 : i1 to i32
    %cond3A = arith.constant 0 : i32
    %cond3A_116 = arith.cmpi ne, %convert_element_type3A, %cond3A : i32
    scf.if %cond3A_116 {
      %mul3A_122 = arith.constant 128 : i32
      %mul3A_123 = arith.muli %add3A, %mul3A_122 : i32
      %add3A_124 = arith.constant 159744 : i32
      %add3A_125 = arith.addi %add3A_124, %mul3A_123 : i32
      "tpu.region"() ({
        %run_scoped3A = tpu.sem_alloc : memref<!tpu.dma_semaphore, #tpu.memory_space<semaphore_mem>>
        %dma_start3A_126 = tpu.memref_slice %arg3[%add3A_125] : memref<160000xi32, #tpu.memory_space<hbm>> -> memref<128xi32, #tpu.memory_space<hbm>>
        %dma_start3A_127 = tpu.memref_slice %arg3[%add3A_125] : memref<160000xi32, #tpu.memory_space<hbm>> -> memref<128xi32, #tpu.memory_space<hbm>>
        tpu.enqueue_dma source(%dma_start3A_127 : memref<128xi32, #tpu.memory_space<hbm>>) target(%arg10 : memref<128xi32, #tpu.memory_space<vmem>>) target_semaphore(%run_scoped3A : memref<!tpu.dma_semaphore, #tpu.memory_space<semaphore_mem>>)
        %dma_wait3A_128 = tpu.memref_slice %arg3[%add3A_125] : memref<160000xi32, #tpu.memory_space<hbm>> -> memref<128xi32, #tpu.memory_space<hbm>>
        %dma_wait3A_129 = tpu.memref_slice %arg3[%add3A_125] : memref<160000xi32, #tpu.memory_space<hbm>> -> memref<128xi32, #tpu.memory_space<hbm>>
        tpu.wait_dma2 semaphore(%run_scoped3A : memref<!tpu.dma_semaphore, #tpu.memory_space<semaphore_mem>>) src(%dma_wait3A_129 : memref<128xi32, #tpu.memory_space<hbm>>) dst(%arg10 : memref<128xi32, #tpu.memory_space<vmem>>)
        tpu.yield
      }) : () -> ()
      "tpu.region"() ({
        %run_scoped3A = tpu.sem_alloc : memref<!tpu.dma_semaphore, #tpu.memory_space<semaphore_mem>>
        %dma_start3A_126 = arith.constant 0 : i32
        %dma_start3A_127 = tpu.memref_slice %arg2[%add3A_125, %dma_start3A_126] : memref<160000x32xf32, #tpu.memory_space<hbm>> -> memref<128x32xf32, #tpu.memory_space<hbm>>
        %dma_start3A_128 = arith.constant 0 : i32
        %dma_start3A_129 = tpu.memref_slice %arg2[%add3A_125, %dma_start3A_128] : memref<160000x32xf32, #tpu.memory_space<hbm>> -> memref<128x32xf32, #tpu.memory_space<hbm>>
        tpu.enqueue_dma source(%dma_start3A_129 : memref<128x32xf32, #tpu.memory_space<hbm>>) target(%arg11 : memref<128x32xf32, #tpu.memory_space<vmem>>) target_semaphore(%run_scoped3A : memref<!tpu.dma_semaphore, #tpu.memory_space<semaphore_mem>>)
        %dma_wait3A_130 = arith.constant 0 : i32
        %dma_wait3A_131 = tpu.memref_slice %arg2[%add3A_125, %dma_wait3A_130] : memref<160000x32xf32, #tpu.memory_space<hbm>> -> memref<128x32xf32, #tpu.memory_space<hbm>>
        %dma_wait3A_132 = arith.constant 0 : i32
        %dma_wait3A_133 = tpu.memref_slice %arg2[%add3A_125, %dma_wait3A_132] : memref<160000x32xf32, #tpu.memory_space<hbm>> -> memref<128x32xf32, #tpu.memory_space<hbm>>
        tpu.wait_dma2 semaphore(%run_scoped3A : memref<!tpu.dma_semaphore, #tpu.memory_space<semaphore_mem>>) src(%dma_wait3A_133 : memref<128x32xf32, #tpu.memory_space<hbm>>) dst(%arg11 : memref<128x32xf32, #tpu.memory_space<vmem>>)
        tpu.yield
      }) : () -> ()
      "tpu.region"() ({
        %run_scoped3A = tpu.sem_alloc : memref<!tpu.dma_semaphore, #tpu.memory_space<semaphore_mem>>
        %dma_start3A_126 = arith.constant 0 : i32
        %dma_start3A_127 = arith.constant 0 : i32
        %dma_start3A_128 = tpu.memref_slice %arg12[%dma_start3A_126, %dma_start3A_127] : memref<10000x32xf32, #tpu.memory_space<vmem_shared>> -> memref<10000x32xf32, #tpu.memory_space<vmem_shared>>
        tpu.enqueue_indirect_dma source(%arg11 : memref<128x32xf32, #tpu.memory_space<vmem>>) target(%dma_start3A_128 : memref<10000x32xf32, #tpu.memory_space<vmem_shared>>) offsets(%arg10 : memref<128xi32, #tpu.memory_space<vmem>>) semaphore(%run_scoped3A : memref<!tpu.dma_semaphore, #tpu.memory_space<semaphore_mem>>) {add = true}
        %dma_wait3A_129 = arith.constant 0 : i32
        %dma_wait3A_130 = arith.constant 0 : i32
        %dma_wait3A_131 = tpu.memref_slice %arg12[%dma_wait3A_129, %dma_wait3A_130] : memref<10000x32xf32, #tpu.memory_space<vmem_shared>> -> memref<10000x32xf32, #tpu.memory_space<vmem_shared>>
        tpu.wait_indirect_dma semaphore(%run_scoped3A : memref<!tpu.dma_semaphore, #tpu.memory_space<semaphore_mem>>) src(%arg11 : memref<128x32xf32, #tpu.memory_space<vmem>>) dst(%dma_wait3A_131 : memref<10000x32xf32, #tpu.memory_space<vmem_shared>>)
        tpu.yield
      }) : () -> ()
    } else {
    }
    %barrier3A_117 = arith.constant 0 : index
    tpu.barrier barrier_id(%barrier3A_117)
    %mul3A_118 = arith.constant 625 : i32
    %mul3A_119 = arith.muli %arg1, %mul3A_118 : i32
    %mul3A_120 = arith.constant 625 : i32
    %mul3A_121 = arith.muli %arg1, %mul3A_120 : i32
    "tpu.region"() ({
      %run_scoped3A = tpu.sem_alloc : memref<!tpu.dma_semaphore, #tpu.memory_space<semaphore_mem>>
      %dma_start3A_122 = arith.constant 0 : i32
      %dma_start3A_123 = tpu.memref_slice %arg5[%arg0, %mul3A_121, %dma_start3A_122] : memref<2x10000x32xf32, #tpu.memory_space<hbm>> -> memref<1x625x32xf32, #tpu.memory_space<hbm>>
      %dma_start3A_124 = tpu.memref_squeeze %dma_start3A_123 : memref<1x625x32xf32, #tpu.memory_space<hbm>> -> memref<625x32xf32, #tpu.memory_space<hbm>>
      %dma_start3A_125 = arith.constant 0 : i32
      %dma_start3A_126 = tpu.memref_slice %arg12[%mul3A_119, %dma_start3A_125] : memref<10000x32xf32, #tpu.memory_space<vmem_shared>> -> memref<625x32xf32, #tpu.memory_space<vmem_shared>>
      tpu.enqueue_dma source(%dma_start3A_126 : memref<625x32xf32, #tpu.memory_space<vmem_shared>>) target(%dma_start3A_124 : memref<625x32xf32, #tpu.memory_space<hbm>>) target_semaphore(%run_scoped3A : memref<!tpu.dma_semaphore, #tpu.memory_space<semaphore_mem>>)
      %dma_wait3A_127 = arith.constant 0 : i32
      %dma_wait3A_128 = tpu.memref_slice %arg5[%arg0, %mul3A_121, %dma_wait3A_127] : memref<2x10000x32xf32, #tpu.memory_space<hbm>> -> memref<1x625x32xf32, #tpu.memory_space<hbm>>
      %dma_wait3A_129 = tpu.memref_squeeze %dma_wait3A_128 : memref<1x625x32xf32, #tpu.memory_space<hbm>> -> memref<625x32xf32, #tpu.memory_space<hbm>>
      %dma_wait3A_130 = arith.constant 0 : i32
      %dma_wait3A_131 = tpu.memref_slice %arg12[%mul3A_119, %dma_wait3A_130] : memref<10000x32xf32, #tpu.memory_space<vmem_shared>> -> memref<625x32xf32, #tpu.memory_space<vmem_shared>>
      tpu.wait_dma2 semaphore(%run_scoped3A : memref<!tpu.dma_semaphore, #tpu.memory_space<semaphore_mem>>) src(%dma_wait3A_131 : memref<625x32xf32, #tpu.memory_space<vmem_shared>>) dst(%dma_wait3A_129 : memref<625x32xf32, #tpu.memory_space<hbm>>)
      tpu.yield
    }) : () -> ()
    return
  }
}

module attributes {stable_mosaic.version = 14 : i64} {
  func.func @_transform_body(%arg0: i32, %arg1: memref<16x3200xf32, #tpu.memory_space<vmem>>, %arg2: memref<800x128xf32, #tpu.memory_space<vmem>>, %arg3: memref<16x512xbf16, #tpu.memory_space<vmem>>, %arg4: memref<128x2048xbf16, #tpu.memory_space<vmem>>, %arg5: memref<2048x128xbf16, #tpu.memory_space<vmem>>, %arg6: memref<128x128xbf16, #tpu.memory_space<vmem>>, %arg7: memref<800x128xf32, #tpu.memory_space<vmem>>) attributes {dimension_semantics = [#tpu.dimension_semantics<arbitrary>], iteration_bounds = array<i64: 50>, scalar_prefetch = 0 : i64, scratch_operands = 0 : i64, tpu.core_type = #tpu.core_type<tc>, window_params = [{transform_indices = @transform_0, window_bounds = array<i64: 16, 3200>}, {transform_indices = @transform_1, window_bounds = array<i64: 800, 128>}, {pipeline_mode = #tpu.pipeline_mode<synchronous>, transform_indices = @transform_2, window_bounds = array<i64: 16, 512>}, {pipeline_mode = #tpu.pipeline_mode<synchronous>, transform_indices = @transform_3, window_bounds = array<i64: 128, 2048>}, {pipeline_mode = #tpu.pipeline_mode<synchronous>, transform_indices = @transform_4, window_bounds = array<i64: 2048, 128>}, {pipeline_mode = #tpu.pipeline_mode<synchronous>, transform_indices = @transform_5, window_bounds = array<i64: 128, 128>}, {transform_indices = @transform_6, window_bounds = array<i64: 800, 128>}]} {
    %get3A = arith.constant 0 : index
    %get3A_0 = arith.constant 0 : index
    %get3A_1 = vector.load %arg1[%get3A, %get3A_0] : memref<16x3200xf32, #tpu.memory_space<vmem>>, vector<16x3200xf32>
    %convert_element_type3A = arith.truncf %get3A_1 : vector<16x3200xf32> to vector<16x3200xbf16>
    %get3A_2 = arith.constant 0 : index
    %get3A_3 = arith.constant 0 : index
    %get3A_4 = vector.load %arg2[%get3A_2, %get3A_3] : memref<800x128xf32, #tpu.memory_space<vmem>>, vector<800x128xf32>
    %convert_element_type3A_5 = arith.truncf %get3A_4 : vector<800x128xf32> to vector<800x128xbf16>
    %get3A_6 = arith.constant 0 : index
    %get3A_7 = arith.constant 0 : index
    %get3A_8 = vector.load %arg3[%get3A_6, %get3A_7] : memref<16x512xbf16, #tpu.memory_space<vmem>>, vector<16x512xbf16>
    %slice3A = vector.extract_strided_slice %convert_element_type3A {offsets = [0, 0], sizes = [16, 800], strides = [1, 1]} : vector<16x3200xbf16> to vector<16x800xbf16>
    %dot_general3A = arith.constant dense<0.000000e+00> : vector<800x512xf32>
    %dot_general3A_9 = tpu.matmul %slice3A, %get3A_8, %dot_general3A {dimension_numbers = #tpu.dot_dimension_numbers<[0], [0], [1], [1], [0, 1, 1, 1], [], []>, transpose_lhs_hint = false} : vector<16x800xbf16>, vector<16x512xbf16>, vector<800x512xf32> -> vector<800x512xf32>
    %convert_element_type3A_10 = arith.truncf %dot_general3A_9 : vector<800x512xf32> to vector<800x512xbf16>
    %slice3A_11 = vector.extract_strided_slice %convert_element_type3A {offsets = [0, 800], sizes = [16, 800], strides = [1, 1]} : vector<16x3200xbf16> to vector<16x800xbf16>
    %dot_general3A_12 = arith.constant dense<0.000000e+00> : vector<800x512xf32>
    %dot_general3A_13 = tpu.matmul %slice3A_11, %get3A_8, %dot_general3A_12 {dimension_numbers = #tpu.dot_dimension_numbers<[0], [0], [1], [1], [0, 1, 1, 1], [], []>, transpose_lhs_hint = false} : vector<16x800xbf16>, vector<16x512xbf16>, vector<800x512xf32> -> vector<800x512xf32>
    %convert_element_type3A_14 = arith.truncf %dot_general3A_13 : vector<800x512xf32> to vector<800x512xbf16>
    %slice3A_15 = vector.extract_strided_slice %convert_element_type3A {offsets = [0, 1600], sizes = [16, 800], strides = [1, 1]} : vector<16x3200xbf16> to vector<16x800xbf16>
    %dot_general3A_16 = arith.constant dense<0.000000e+00> : vector<800x512xf32>
    %dot_general3A_17 = tpu.matmul %slice3A_15, %get3A_8, %dot_general3A_16 {dimension_numbers = #tpu.dot_dimension_numbers<[0], [0], [1], [1], [0, 1, 1, 1], [], []>, transpose_lhs_hint = false} : vector<16x800xbf16>, vector<16x512xbf16>, vector<800x512xf32> -> vector<800x512xf32>
    %convert_element_type3A_18 = arith.truncf %dot_general3A_17 : vector<800x512xf32> to vector<800x512xbf16>
    %slice3A_19 = vector.extract_strided_slice %convert_element_type3A {offsets = [0, 2400], sizes = [16, 800], strides = [1, 1]} : vector<16x3200xbf16> to vector<16x800xbf16>
    %dot_general3A_20 = arith.constant dense<0.000000e+00> : vector<800x512xf32>
    %dot_general3A_21 = tpu.matmul %slice3A_19, %get3A_8, %dot_general3A_20 {dimension_numbers = #tpu.dot_dimension_numbers<[0], [0], [1], [1], [0, 1, 1, 1], [], []>, transpose_lhs_hint = false} : vector<16x800xbf16>, vector<16x512xbf16>, vector<800x512xf32> -> vector<800x512xf32>
    %convert_element_type3A_22 = arith.truncf %dot_general3A_21 : vector<800x512xf32> to vector<800x512xbf16>
    %concatenate3A = tpu.concatenate %convert_element_type3A_10, %convert_element_type3A_14, %convert_element_type3A_18, %convert_element_type3A_22 in 1 : vector<800x512xbf16>, vector<800x512xbf16>, vector<800x512xbf16>, vector<800x512xbf16> -> vector<800x2048xbf16>
    %get3A_23 = arith.constant 0 : index
    %get3A_24 = arith.constant 0 : index
    %get3A_25 = vector.load %arg4[%get3A_23, %get3A_24] : memref<128x2048xbf16, #tpu.memory_space<vmem>>, vector<128x2048xbf16>
    %dot_general3A_26 = arith.constant dense<0.000000e+00> : vector<800x2048xf32>
    %dot_general3A_27 = tpu.matmul %convert_element_type3A_5, %get3A_25, %dot_general3A_26 {dimension_numbers = #tpu.dot_dimension_numbers<[1], [0], [0], [1], [0, 0, 1, 1], [], []>, transpose_lhs_hint = false} : vector<800x128xbf16>, vector<128x2048xbf16>, vector<800x2048xf32> -> vector<800x2048xf32>
    %convert_element_type3A_28 = arith.truncf %dot_general3A_27 : vector<800x2048xf32> to vector<800x2048xbf16>
    %mul3A = arith.mulf %concatenate3A, %convert_element_type3A_28 : vector<800x2048xbf16>
    %get3A_29 = arith.constant 0 : index
    %get3A_30 = arith.constant 0 : index
    %get3A_31 = vector.load %arg5[%get3A_29, %get3A_30] : memref<2048x128xbf16, #tpu.memory_space<vmem>>, vector<2048x128xbf16>
    %dot_general3A_32 = arith.constant dense<0.000000e+00> : vector<800x128xf32>
    %dot_general3A_33 = tpu.matmul %mul3A, %get3A_31, %dot_general3A_32 {dimension_numbers = #tpu.dot_dimension_numbers<[1], [0], [0], [1], [0, 0, 1, 1], [], []>, transpose_lhs_hint = false} : vector<800x2048xbf16>, vector<2048x128xbf16>, vector<800x128xf32> -> vector<800x128xf32>
    %get3A_34 = arith.constant 0 : index
    %get3A_35 = arith.constant 0 : index
    %get3A_36 = vector.load %arg6[%get3A_34, %get3A_35] : memref<128x128xbf16, #tpu.memory_space<vmem>>, vector<128x128xbf16>
    %dot_general3A_37 = arith.constant dense<0.000000e+00> : vector<800x128xf32>
    %dot_general3A_38 = tpu.matmul %convert_element_type3A_5, %get3A_36, %dot_general3A_37 {dimension_numbers = #tpu.dot_dimension_numbers<[1], [0], [0], [1], [0, 0, 1, 1], [], []>, transpose_lhs_hint = false} : vector<800x128xbf16>, vector<128x128xbf16>, vector<800x128xf32> -> vector<800x128xf32>
    %add3A = arith.addf %dot_general3A_33, %dot_general3A_38 : vector<800x128xf32>
    %swap3A = arith.constant 0 : index
    %swap3A_39 = arith.constant 0 : index
    %swap3A_40 = vector.load %arg7[%swap3A, %swap3A_39] : memref<800x128xf32, #tpu.memory_space<vmem>>, vector<800x128xf32>
    tpu.vector_store %arg7[%swap3A, %swap3A_39], %add3A {strides = array<i32>} : memref<800x128xf32, #tpu.memory_space<vmem>>, vector<800x128xf32>,
    return
  }
  func.func @transform_0(%arg0: i32) -> (i32, i32) {
    %c0_i32 = arith.constant 0 : i32
    %c0_i32_0 = arith.constant 0 : i32
    return %c0_i32, %arg0 : i32, i32
  }
  func.func @transform_1(%arg0: i32) -> (i32, i32) {
    %c0_i32 = arith.constant 0 : i32
    %c0_i32_0 = arith.constant 0 : i32
    return %arg0, %c0_i32 : i32, i32
  }
  func.func @transform_2(%arg0: i32) -> (i32, i32) {
    %c0_i32 = arith.constant 0 : i32
    %c0_i32_0 = arith.constant 0 : i32
    %c0_i32_1 = arith.constant 0 : i32
    return %c0_i32, %c0_i32_0 : i32, i32
  }
  func.func @transform_3(%arg0: i32) -> (i32, i32) {
    %c0_i32 = arith.constant 0 : i32
    %c0_i32_0 = arith.constant 0 : i32
    %c0_i32_1 = arith.constant 0 : i32
    return %c0_i32, %c0_i32_0 : i32, i32
  }
  func.func @transform_4(%arg0: i32) -> (i32, i32) {
    %c0_i32 = arith.constant 0 : i32
    %c0_i32_0 = arith.constant 0 : i32
    %c0_i32_1 = arith.constant 0 : i32
    return %c0_i32, %c0_i32_0 : i32, i32
  }
  func.func @transform_5(%arg0: i32) -> (i32, i32) {
    %c0_i32 = arith.constant 0 : i32
    %c0_i32_0 = arith.constant 0 : i32
    %c0_i32_1 = arith.constant 0 : i32
    return %c0_i32, %c0_i32_0 : i32, i32
  }
  func.func @transform_6(%arg0: i32) -> (i32, i32) {
    %c0_i32 = arith.constant 0 : i32
    %c0_i32_0 = arith.constant 0 : i32
    return %arg0, %c0_i32 : i32, i32
  }
}

module attributes {stable_mosaic.version = 14 : i64} {
  func.func @_combine_body(%arg0: memref<2500x128xf32, #tpu.memory_space<vmem>>, %arg1: memref<2500x128xf32, #tpu.memory_space<vmem>>, %arg2: memref<2500x128xf32, #tpu.memory_space<vmem>>) attributes {dimension_semantics = [], scalar_prefetch = 0 : i64, scratch_operands = 0 : i64, tpu.core_type = #tpu.core_type<tc>} {
    %get3A = arith.constant 0 : index
    %get3A_0 = arith.constant 0 : index
    %get3A_1 = vector.load %arg0[%get3A, %get3A_0] : memref<2500x128xf32, #tpu.memory_space<vmem>>, vector<2500x128xf32>
    %get3A_2 = arith.constant 0 : index
    %get3A_3 = arith.constant 0 : index
    %get3A_4 = vector.load %arg1[%get3A_2, %get3A_3] : memref<2500x128xf32, #tpu.memory_space<vmem>>, vector<2500x128xf32>
    %add3A = arith.addf %get3A_1, %get3A_4 : vector<2500x128xf32>
    %swap3A = arith.constant 0 : index
    %swap3A_5 = arith.constant 0 : index
    %swap3A_6 = vector.load %arg2[%swap3A, %swap3A_5] : memref<2500x128xf32, #tpu.memory_space<vmem>>, vector<2500x128xf32>
    tpu.vector_store %arg2[%swap3A, %swap3A_5], %add3A {strides = array<i32>} : memref<2500x128xf32, #tpu.memory_space<vmem>>, vector<2500x128xf32>,
    return
  }
}

</mosaic_0001>

<sc_bundles>
// kernel: kernel.10.cloned.1.call-start
scs
__scs_entry_jumppad:
0x0: {  	(pc) =	sbr.rel $0x88, $3  }
0x1: {  	(tag) =	ssettag $0x0;
	lr =	simm.s32 $0x1  }
0x2: {  	[smem:$0x3F9C] =	sst lr;
	_ =	strace $0xD0000000  }
0x3: {  	_ = 	snop  }
0x4: {  	_ = 	snop  }
0x5: {  	_ = 	snop  }
0x6: {  	_ = 	snop  }
0x7: {  	_ = 	snop  }
__scs_overlays_trampoline_lowered:
0x8: {  	[smem:$0x3FAB] =	sst s0  }
0x9: {  	[smem:$0x3FAC] =	sst s1  }
0xa: {  	[smem:$0x3FAD] =	sst s2  }
0xb: {  	[smem:$0x3FAE] =	sst s3  }
0xc: {  	[smem:$0x3FAF] =	sst s4  }
0xd: {  	[smem:$0x3FB0] =	sst s5  }
0xe: {  	[smem:$0x3FB1] =	sst s6  }
0xf: {  	[smem:$0x3FB2] =	sst s7  }
0x10: {  	[smem:$0x3FB3] =	sst s8  }
0x11: {  	[smem:$0x3FB4] =	sst s9;
	s0 =	simm.s32 @!p0 $0x0  }
0x12: {  	s1 =	sld [smem:$0x3F9A];
	s0 =	simm.s32 @p0 $0x1  }
0x13: {  	[smem:$0x3FB5] =	sst s0;
	s0 =	simm.s32 @!p1 $0x0  }
0x14: {  	s2 =	sld [smem:$0x3F99];
	s0 =	simm.s32 @p1 $0x1  }
0x15: {  	[smem:$0x3FB6] =	sst s0;
	s0 =	simm.s32 @!p2 $0x0  }
0x16: {  	s3 =	sld [smem:$0x3FDB];
	s0 =	simm.s32 @p2 $0x1  }
0x17: {  	s4 =	simm.s32 $0x1BF5;
	[smem:$0x3FB8] =	sst s0  }
0x18: {  	s0 =	sld [smem:$0x3F9B];
	_ =	swait.ge [sflag:s4], $0x0  }
0x19: {  	s7 =	sld [smem:$0x3F9C]  }
0x1a: {  	s8 =	sadd.s32 $0xFFFFE003, lr  }
0x1b: {  	s9 =	sadd.s32 $0xFFFFFEF7, lr;
	s5 =	simm.s32 $0xFFFFFFFF;
	p2 =	slt.u32 s8, $0xFFFFF086  }
0x1c: {  	p1 =	slt.u32 s9, $0xF7A;
	s5 =	simm.s32 @!p2 $0x0  }
0x1d: {  	s5 =	simm.s32 @p1 $0x1;
	p0 =	seq.s32 s7, s2  }
0x1e: {  	s7 =	smul.u32 @!p0 $0xF7A, s2;
	p2 =	seq.s32 @!p0 s5, $0x0  }
0x1f: {  	s9 =	smul.u32 $0xF7A, s1;
	s8 =	simm.s32 @!p0 $0x1BF5;
	p2 =	por !p2, p0  }
0x20: {  	[sflag:s8] =	ssyncset.s32 @!p0 $0xFFFFF086;
	s6 =	sadd.s32 @!p0 s3, s7;
	s7 =	simm.s32 @!p0 $0x108  }
0x21: {  	s3 =	sadd.s32 s3, s9;
	s6 =	sadd.s32 @!p0 $0x88, s6;
	s7 =	simm.s32 @p2 $0x1082  }
0x22: {  	[simem:s7], [sflag:s8] =	dma.local @!p0 [hbm:s6], $0xF7A  }
0x23: {  	s9 =	sor.u32 $0xD0000000, s2;
	s6 =	simm.s32 $0x108;
	_ =	swait.ge @!p0 [sflag:s8], $0x0  }
0x24: {  	s3 =	sadd.s32 $0x88, s3;
	s6 =	simm.s32 @!p1 $0x1082;
	[sflag:s4] =	ssyncset.s32 $0xFFFFF086  }
0x25: {  	[simem:s6], [sflag:s4] =	dma.local [hbm:s3], $0xF7A  }
0x26: {  	[smem:$0x3F9C] =	sst s1;
	(tag) =	ssettag s2;
	_ =	strace s9  }
0x27: {  	s1 =	sld [smem:$0x3FAC]  }
0x28: {  	s2 =	sld [smem:$0x3FAD]  }
0x29: {  	s4 =	sld [smem:$0x3FAF]  }
0x2a: {  	p0 =	seq.s32 s5, $0x0;
	s5 =	sld [smem:$0x3FB0]  }
0x2b: {  	s6 =	sld [smem:$0x3FB1]  }
0x2c: {  	s7 =	sld [smem:$0x3FB2]  }
0x2d: {  	s3 =	simm.s32 $0x108;
	s8 =	sld [smem:$0x3FB3]  }
0x2e: {  	s3 =	simm.s32 @!p0 $0x1082;
	s9 =	sld [smem:$0x3FB4]  }
0x2f: {  	lr =	sadd.s32 s0, s3;
	s0 =	sld [smem:$0x3FAB]  }
0x30: {  	s3 =	sld [smem:$0x3FAE]  }
0x31: {  	[smem:$0x3FB7] =	sst s10  }
0x32: {  	s10 =	sld [smem:$0x3FB5];
	_ =	sdelay $0x3  }
0x33: {  	p0 =	seq.s32 s10, $0x1;
	s10 =	sld [smem:$0x3FB7];
	_ =	sdelay $0x3  }
0x34: {  	[smem:$0x3FB7] =	sst s10  }
0x35: {  	s10 =	sld [smem:$0x3FB6];
	_ =	sdelay $0x3  }
0x36: {  	p1 =	seq.s32 s10, $0x1;
	s10 =	sld [smem:$0x3FB7];
	_ =	sdelay $0x3  }
0x37: {  	[smem:$0x3FB7] =	sst s10  }
0x38: {  	s10 =	sld [smem:$0x3FB8]  }
0x39: {  	_ = 	snop;
	(pc) =	sbr.ind lr, $3  }
0x3a: {  	_ = 	snop  }
0x3b: {  	_ = 	snop  }
0x3c: {  	p2 =	seq.s32 s10, $0x1;
	s10 =	sld [smem:$0x3FB7]  }
0x3d: {  	_ =	shalt  }
0x3e: {  	_ =	shalt  }
0x3f: {  	_ =	shalt  }
0x40: {  	_ =	shalt  }
0x41: {  	_ =	shalt  }
0x42: {  	_ =	shalt  }
0x43: {  	_ =	shalt  }
0x44: {  	_ =	shalt  }
0x45: {  	_ =	shalt  }
0x46: {  	_ =	shalt  }
0x47: {  	_ =	shalt  }
0x48: {  	_ =	shalt  }
0x49: {  	_ =	shalt  }
0x4a: {  	_ =	shalt  }
0x4b: {  	_ =	shalt  }
0x4c: {  	_ =	shalt  }
0x4d: {  	_ =	shalt  }
0x4e: {  	_ =	shalt  }
0x4f: {  	_ =	shalt  }
0x50: {  	_ =	shalt  }
0x51: {  	_ =	shalt  }
0x52: {  	_ =	shalt  }
0x53: {  	_ =	shalt  }
0x54: {  	_ =	shalt  }
0x55: {  	_ =	shalt  }
0x56: {  	_ =	shalt  }
0x57: {  	_ =	shalt  }
0x58: {  	_ =	shalt  }
0x59: {  	_ =	shalt  }
0x5a: {  	_ =	shalt  }
0x5b: {  	_ =	shalt  }
0x5c: {  	_ =	shalt  }
0x5d: {  	_ =	shalt  }
0x5e: {  	_ =	shalt  }
0x5f: {  	_ =	shalt  }
0x60: {  	_ =	shalt  }
0x61: {  	_ =	shalt  }
0x62: {  	_ =	shalt  }
0x63: {  	_ =	shalt  }
0x64: {  	_ =	shalt  }
0x65: {  	_ =	shalt  }
0x66: {  	_ =	shalt  }
0x67: {  	_ =	shalt  }
0x68: {  	_ =	shalt  }
0x69: {  	_ =	shalt  }
0x6a: {  	_ =	shalt  }
0x6b: {  	_ =	shalt  }
0x6c: {  	_ =	shalt  }
0x6d: {  	_ =	shalt  }
0x6e: {  	_ =	shalt  }
0x6f: {  	_ =	shalt  }
0x70: {  	_ =	shalt  }
0x71: {  	_ =	shalt  }
0x72: {  	_ =	shalt  }
0x73: {  	_ =	shalt  }
0x74: {  	_ =	shalt  }
0x75: {  	_ =	shalt  }
0x76: {  	_ =	shalt  }
0x77: {  	_ =	shalt  }
0x78: {  	_ =	shalt  }
0x79: {  	_ =	shalt  }
0x7a: {  	_ =	shalt  }
0x7b: {  	_ =	shalt  }
0x7c: {  	_ =	shalt  }
0x7d: {  	_ =	shalt  }
0x7e: {  	_ =	shalt  }
0x7f: {  	_ =	shalt  }
0x80: {  	_ =	shalt  }
0x81: {  	_ =	shalt  }
0x82: {  	_ =	shalt  }
0x83: {  	_ =	shalt  }
0x84: {  	_ =	shalt  }
0x85: {  	_ =	shalt  }
0x86: {  	_ =	shalt  }
0x87: {  	_ =	shalt  }
.Lfunc_end0:
.L_simem_size_0:
called_computation.1_lowered:
.L_overlay_start_0:
0x88: {  	s2 =	sld [smem:$0x3FD9]  }
0x89: {  	s3 =	sld [smem:$0x3FFE];
	_ =	sdelay $0x1  }
0x8a: {  	s1 =	srdreg.scid  }
0x8b: {  	s0 =	sand.u32 $0x1, s1  }
0x8c: {  	s17 =	sshll.u32 s0, $0xA;
	s2 =	sadd.s32 s3, s2  }
0x8d: {  	s2 =	sadd.s32 s2, s17  }
0x8e: {  	[smem:$0x3FC3] =	sst s2  }
0x8f: {  	_ = 	snop  }
0x90: {  	s2 =	sld [smem:$0x3FD0];
	(tm) =	ssettm $0x1  }
0x91: {  	s18 =	sld [smem:$0x3FFB];
	_ =	sdelay $0x3  }
0x92: {  	_ =	strace s18  }
0x93: {  	s3 =	sld [smem:$0x3FFC];
	_ =	sdelay $0x3  }
0x94: {  	_ =	strace s3  }
0x95: {  	s3 =	sld [smem:$0x3FFD];
	_ =	sdelay $0x3  }
0x96: {  	_ =	strace s3  }
0x97: {  	_ =	strace $0x8FFFFFFF  }
0x98: {  	s19 =	sld [smem:$0x3FDB];
	_ =	sdelay $0x1  }
0x99: {  	s4 =	simm.s32 $_scs_section_size  }
0x9a: {  	s5 =	simm.s32 $_size__tile_overlayer_lowered;
	s6 =	simm.s32 $_tile_overlayer_lowered  }
0x9b: {  	s22 =	simm.s32 $0x1BFF;
	s21 =	sshll.u32 s6, $0x1;
	s3 =	sadd.s32 s4, s19  }
0x9c: {  	s7 =	simm.s32 $0x0;
	s20 =	sshll.u32 s5, $0x1;
	s5 =	sadd.s32 s21, s3  }
0x9d: {  	[timem:s7], [sflag:s22] =	dma.local [hbm:s5], s20  }
0x9e: {  	_ =	swait.ge [sflag:s22], s20  }
0x9f: {  	s4 =	ssub.s32 $0x0, s20;
	[sflag:s22] =	ssyncset.done $0x0  }
0xa0: {  	[sflag:s22] =	ssyncadd.s32 s4;
	_ =	sdelay $0x1  }
0xa1: {  	s23 =	simm.s32 $0x1B8B  }
0xa2: {  	_ =	swait.ge [sflag:s23], $0x1  }
0xa3: {  	[sflag:s23] =	ssyncset.done $0x0  }
0xa4: {  	s25 =	simm.s32 $0x1B8E;
	s24 =	sld [smem:$0x3FFE];
	[sflag:s23] =	ssyncadd.s32 $0xFFFFFFFF  }
0xa5: {  	s26 =	simm.s32 $execute0_lowered;
	[smem:$0x3FD2] =	sst s25  }
0xa6: {  	s5 =	sshll.u32 s26, $0x1;
	_ =	strace $0x80000049;
	[dreg:$0x1] =	wrdreg $0xFFFFFFFF  }
0xa7: {  	s28 =	simm.s32 $_size_execute0_lowered;
	s3 =	sadd.s32 s3, s5;
	[dreg:$0x0] =	wrdreg $0x0  }
0xa8: {  	s5 =	sshll.u32 s28, $0x1;
	[dreg:$0x2] =	wrdreg s3  }
0xa9: {  	[dreg:$0x3] =	wrdreg s5  }
0xaa: {  	[dreg:$0x4] =	wrdreg $0xC0  }
0xab: {  	_ =	task [dreg:s7], $0x5FFFF  }
0xac: {  	[dreg:$0x1] =	wrdreg $0xFFFFFFFF  }
0xad: {  	[dreg:$0x0] =	wrdreg $0x60  }
0xae: {  	[dreg:$0x2] =	wrdreg s24  }
0xaf: {  	[dreg:$0x3] =	wrdreg s2  }
0xb0: {  	[dreg:$0x4] =	wrdreg $0xB1600  }
0xb1: {  	[dreg:$0x5] =	wrdreg $0x9  }
0xb2: {  	_ =	task.clear_ibuf [dreg:s7], $0x6FFFF;
	_ =	strace $0x90000049  }
0xb3: {  	s29 =	simm.s32 $0x9;
	_ =	strace $0x8000004B  }
0xb4: {  	_ =	swait.ge [sflag:s29], $0x1  }
0xb5: {  	[sflag:s29] =	ssyncadd.s32 $0xFFFFFFFF  }
0xb6: {  	_ =	strace $0x9000004B  }
0xb7: {  	_ =	sfence  }
0xb8: {  	s30 =	sld [smem:$0x0];
	_ =	sdelay $0x2  }
0xb9: {  	s31 =	sshll.u32 s1, $0xD;
	s1 =	sshrl.u32 s1, $0x2  }
0xba: {  	s3 =	sand.u32 $0x4000, s31;
	s1 =	sadd.s32 s1, s30  }
0xbb: {  	s0 =	sor.u32 s3, s0;
	s1 =	sshll.u32 s1, $0x11  }
0xbc: {  	s0 =	sor.u32 s1, s0  }
0xbd: {  	s0 =	sadd.s32 $0x8F2B, s0  }
0xbe: {  	[sflag:s0] =	ssyncadd.remote.s32 $0x1  }
0xbf: {  	_ =	sfence.sel $0xFFFF  }
0xc0: {  	[dreg:$0x0] =	wrdreg $0xFFFFFFFF;
	(pc) =	sbr.abs _section_cstart, $3  }
0xc1: {  	[dreg:$0x1] =	wrdreg $0xFFFFFFFF  }
0xc2: {  	_ =	task.clear_ibuf [dreg:s7], $0x2FFFF;
	_ =	strace $0x9FFFFFFF  }
0xc3: {  	(tm) =	ssettm $0x7FFFFFFF  }
tec
execute0_lowered:
.L_overlay_start_1:
0x0: {  	(tag) =	ssettag $0x1  }
0x1: {  	s3 =	rddreg [dreg:$0x0]  }
0x2: {  	s7 =	rddreg [dreg:$0x1]  }
0x3: {  	s1 =	rddreg [dreg:$0x2]  }
0x4: {  	s26 =	rddreg [dreg:$0x3]  }
0x5: {  	s4 =	srdreg.scid;
	s0 =	stileid.u32;
	s2 =	simm.s32 $0x0  }
0x6: {  	p1 =	por $0x0, $0x0;
	s6 =	sand.u32 $0x1, s4;
	s9 =	smul.u32 $0x4E20, s0  }
0x7: {  	[smem:$0x7FF] =	sst s2;
	s4 =	sadd.s32 $0xA7800, s3;
	s10 =	sshll.u32 s0, $0x1  }
0x8: {  	s23 =	sshll.u32 s0, $0x6;
	p0 =	sne.s32 s0, $0x0;
	s5 =	smul.u32 $0x4E200, s6  }
0x9: {  	_ =	strace $0x8000004A;
	s10 =	sor.u32 s6, s10;
	s12 =	ssub.s32 $0x2, s6  }
0xa: {  	s6 =	sshll.u32 s6, $0x7;
	s11 =	smul.u32 $0x1380, s10;
	s28 =	sadd.s32 s9, s1  }
0xb: {  	s29 =	sshrl.u32 s9, $0x3;
	s10 =	smul.u32 $0x4E00, s10;
	s13 =	sshrl.u32 s12, $0x1  }
0xc: {  	s6 =	sor.u32 $0x27000, s6;
	s8 =	sadd.s32 s9, s5;
	s5 =	sadd.s32 $0xA2800, s3  }
0xd: {  	[dreg:$0x4] =	wrdreg s28;
	s8 =	sshrl.u32 s8, $0x3;
	s9 =	sshrl.u32 s11, $0x3  }
0xe: {  	s15 =	sadd.s32 s4, s10;
	s16 =	sadd.s32 $0x270, s11;
	s18 =	sadd.s32 $0x4E0, s11  }
0xf: {  	s24 =	sadd.s32 $0x750, s11;
	s28 =	sadd.s32 $0x9C0, s11;
	s0 =	rddreg [dreg:$0x4]  }
0x10: {  	s8 =	sadd.s32 s8, s3;
	s3 =	sadd.s32 s7, s29;
	s14 =	sadd.s32 s5, s9  }
0x11: {  	s9 =	ssub.s32 s12, s13;
	[dreg:$0x7] =	wrdreg s15;
	s17 =	sshrl.u32 s16, $0x3  }
0x12: {  	s7 =	sshll.u32 s16, $0x2;
	s20 =	sshrl.u32 s18, $0x3;
	s22 =	sshll.u32 s18, $0x2  }
0x13: {  	s25 =	sshrl.u32 s24, $0x3;
	s29 =	sshrl.u32 s28, $0x3;
	s10 =	sshll.u32 s28, $0x2  }
0x14: {  	s12 =	sadd.s32 $0xC30, s11;
	s18 =	sadd.s32 $0x1110, s11;
	[dreg:$0x5] =	wrdreg s3  }
0x15: {  	s28 =	sshrl.u32 s6, $0x3;
	s6 =	sshll.u32 s6, $0x2;
	[dreg:$0x6] =	wrdreg s14  }
0x16: {  	s3 =	sadd.s32 s5, s17;
	s19 =	sadd.s32 s4, s7;
	s21 =	sadd.s32 s5, s20  }
0x17: {  	s7 =	sadd.s32 s4, s22;
	s22 =	sadd.s32 s4, s10;
	s13 =	sshrl.u32 s12, $0x3  }
0x18: {  	s14 =	sadd.s32 $0xEA0, s11;
	s16 =	sshll.u32 s12, $0x2;
	[dreg:$0x8] =	wrdreg s3  }
0x19: {  	s11 =	sshrl.u32 s18, $0x3;
	s6 =	sadd.s32 s4, s6;
	[dreg:$0x9] =	wrdreg s19  }
0x1a: {  	s30 =	sadd.s32 $0x1400, s8;
	s8 =	simm.s32 $0x270;
	[dreg:$0xa] =	wrdreg s21  }
0x1b: {  	s3 =	sor.u32 $0x1C05, s23;
	[dreg:$0xb] =	wrdreg s7;
	s7 =	sshll.u32 s24, $0x2  }
0x1c: {  	s23 =	sadd.s32 s5, s25;
	s21 =	sadd.s32 s5, s29;
	s29 =	smax.u32 s9, $0x1  }
0x1d: {  	s19 =	sadd.s32 s5, s13;
	s17 =	sshrl.u32 s14, $0x3;
	s31 =	sadd.s32 $0xFFFFFFFF, s29  }
0x1e: {  	s20 =	sadd.s32 s4, s16;
	s25 =	sshll.u32 s14, $0x2;
	p2 =	sne.s32 s31, $0x0  }
.Ltmp0:
0x1f: {  	s10 =	sadd.s32 s5, s11;
	s13 =	simm.s32 $0x4E0;
	(pc) =	sbr.rel @!p2 .LBB2_5-.Ltmp0, $4  }
0x20: {  	s9 =	simm.s32 $0x52E0;
	s14 =	simm.s32 $0x2;
	s11 =	simm.s32 $0x4  }
0x21: {  	s24 =	sadd.s32 s4, s7;
	s15 =	sadd.s32 s5, s17;
	s16 =	sadd.s32 s4, s25  }
0x22: {  	s7 =	sshll.u32 s18, $0x2;
	s18 =	simm.s32 $0x1;
	s17 =	simm.s32 $0x3  }
0x23: {  	s12 =	sadd.s32 s4, s7;
	s7 =	sadd.s32 s5, s28;
	s5 =	simm.s32 $0x5  }
0x24: {  	s25 =	rddreg [dreg:$0x5];
	s0 =	sshrl.u32 s0, $0x3  }
0x25: {  	[spmem:s0], [sflag:s3] =	dma.local [hbm:s25], $0x9C4  }
0x26: {  	_ =	swait.ge [sflag:s5], $0x9C4  }
0x27: {  	[sflag:s5] =	ssyncset.done $0x0  }
0x28: {  	[sflag:s5] =	ssyncadd.s32 $0xFFFFF63C  }
0x29: {  	[bflag:$0x0] =	sbarrier.arrive $0xFFFF  }
0x2a: {  	s4 =	rddreg [dreg:$0x6]  }
0x2b: {  	[tilespmem:s2], [sflag:$0x1] =	stream.linear.gather [hbm4b:s4+s2], $0x270, $0x38;
	[tilespmem:$0xFF80] =	vst v63  }
0x2c: {  	s26 =	rddreg [dreg:$0x7]  }
0x2d: {  	[tilespmem:s13], [sflag:$0x3] =	stream.linear.gather [hbm4b:s26+s2], $0x4E00, $0x38;
	[tilespmem:$0xFF80] =	vst v63  }
0x2e: {  	s25 =	rddreg [dreg:$0x8]  }
0x2f: {  	[tilespmem:s8], [sflag:$0x2] =	stream.linear.gather [hbm4b:s25+s2], $0x270, $0x38;
	[tilespmem:$0xFF80] =	vst v63  }
0x30: {  	s4 =	rddreg [dreg:$0x9]  }
0x31: {  	[tilespmem:s9], [sflag:$0x4] =	stream.linear.gather [hbm4b:s4+s2], $0x4E00, $0x38;
	[tilespmem:$0xFF80] =	vst v63  }
0x32: {  	_ =	swait.ge [sflag:s18], $0x270  }
0x33: {  	[sflag:s18] =	ssyncset.done $0x0  }
0x34: {  	[sflag:s18] =	ssyncadd.s32 $0xFFFFFD90  }
0x35: {  	_ =	swait.ge [sflag:s17], $0x4E00  }
0x36: {  	[sflag:s17] =	ssyncset.done $0x0  }
0x37: {  	[sflag:s17] =	ssyncadd.s32 $0xFFFFB200  }
0x38: {  	[spmem:s1] =	stream.indirect.scatter.add.f32 [tilespmem:s13], [sflag:$0x5], $0x20, s2, s8, $0xb8;
	[tilespmem:$0xFF80] =	vst v63  }
0x39: {  	_ =	swait.ge [sflag:s5], $0x4E00  }
0x3a: {  	[sflag:s5] =	ssyncset.done $0x0  }
0x3b: {  	s26 =	rddreg [dreg:$0xa];
	[sflag:s5] =	ssyncadd.s32 $0xFFFFB200  }
0x3c: {  	[tilespmem:s2], [sflag:$0x1] =	stream.linear.gather [hbm4b:s26+s2], $0x270, $0x38;
	[tilespmem:$0xFF80] =	vst v63  }
0x3d: {  	s4 =	rddreg [dreg:$0xb]  }
0x3e: {  	[tilespmem:s13], [sflag:$0x3] =	stream.linear.gather [hbm4b:s4+s2], $0x4E00, $0x38;
	[tilespmem:$0xFF80] =	vst v63  }
0x3f: {  	_ =	swait.ge [sflag:s14], $0x270  }
0x40: {  	[sflag:s14] =	ssyncset.done $0x0  }
0x41: {  	[sflag:s14] =	ssyncadd.s32 $0xFFFFFD90  }
0x42: {  	_ =	swait.ge [sflag:s11], $0x4E00  }
0x43: {  	[sflag:s11] =	ssyncset.done $0x0  }
0x44: {  	[sflag:s11] =	ssyncadd.s32 $0xFFFFB200  }
0x45: {  	[spmem:s1] =	stream.indirect.scatter.add.f32 [tilespmem:s9], [sflag:$0x5], $0x20, s8, s8, $0xb8;
	[tilespmem:$0xFF80] =	vst v63  }
0x46: {  	_ =	swait.ge [sflag:s5], $0x4E00  }
0x47: {  	[sflag:s5] =	ssyncset.done $0x0  }
0x48: {  	[sflag:s5] =	ssyncadd.s32 $0xFFFFB200  }
0x49: {  	[tilespmem:s8], [sflag:$0x2] =	stream.linear.gather [hbm4b:s23+s2], $0x270, $0x38;
	[tilespmem:$0xFF80] =	vst v63  }
0x4a: {  	_ = 	snop  }
0x4b: {  	[tilespmem:s9], [sflag:$0x4] =	stream.linear.gather [hbm4b:s24+s2], $0x4E00, $0x38;
	[tilespmem:$0xFF80] =	vst v63  }
0x4c: {  	_ =	swait.ge [sflag:s18], $0x270  }
0x4d: {  	[sflag:s18] =	ssyncset.done $0x0  }
0x4e: {  	[sflag:s18] =	ssyncadd.s32 $0xFFFFFD90  }
0x4f: {  	_ =	swait.ge [sflag:s17], $0x4E00  }
0x50: {  	[sflag:s17] =	ssyncset.done $0x0  }
0x51: {  	[sflag:s17] =	ssyncadd.s32 $0xFFFFB200  }
0x52: {  	[spmem:s1] =	stream.indirect.scatter.add.f32 [tilespmem:s13], [sflag:$0x5], $0x20, s2, s8, $0xb8;
	[tilespmem:$0xFF80] =	vst v63  }
0x53: {  	_ =	swait.ge [sflag:s5], $0x4E00  }
0x54: {  	[sflag:s5] =	ssyncset.done $0x0  }
0x55: {  	[sflag:s5] =	ssyncadd.s32 $0xFFFFB200  }
0x56: {  	[tilespmem:s2], [sflag:$0x1] =	stream.linear.gather [hbm4b:s21+s2], $0x270, $0x38;
	[tilespmem:$0xFF80] =	vst v63  }
0x57: {  	_ = 	snop  }
0x58: {  	[tilespmem:s13], [sflag:$0x3] =	stream.linear.gather [hbm4b:s22+s2], $0x4E00, $0x38;
	[tilespmem:$0xFF80] =	vst v63  }
0x59: {  	_ =	swait.ge [sflag:s14], $0x270  }
0x5a: {  	[sflag:s14] =	ssyncset.done $0x0  }
0x5b: {  	[sflag:s14] =	ssyncadd.s32 $0xFFFFFD90  }
0x5c: {  	_ =	swait.ge [sflag:s11], $0x4E00  }
0x5d: {  	[sflag:s11] =	ssyncset.done $0x0  }
0x5e: {  	[sflag:s11] =	ssyncadd.s32 $0xFFFFB200  }
0x5f: {  	[spmem:s1] =	stream.indirect.scatter.add.f32 [tilespmem:s9], [sflag:$0x5], $0x20, s8, s8, $0xb8;
	[tilespmem:$0xFF80] =	vst v63  }
0x60: {  	_ =	swait.ge [sflag:s5], $0x4E00  }
0x61: {  	[sflag:s5] =	ssyncset.done $0x0  }
0x62: {  	[sflag:s5] =	ssyncadd.s32 $0xFFFFB200  }
0x63: {  	[tilespmem:s8], [sflag:$0x2] =	stream.linear.gather [hbm4b:s19+s2], $0x270, $0x38;
	[tilespmem:$0xFF80] =	vst v63  }
0x64: {  	_ = 	snop  }
0x65: {  	[tilespmem:s9], [sflag:$0x4] =	stream.linear.gather [hbm4b:s20+s2], $0x4E00, $0x38;
	[tilespmem:$0xFF80] =	vst v63  }
0x66: {  	_ =	swait.ge [sflag:s18], $0x270  }
0x67: {  	[sflag:s18] =	ssyncset.done $0x0  }
0x68: {  	[sflag:s18] =	ssyncadd.s32 $0xFFFFFD90  }
0x69: {  	_ =	swait.ge [sflag:s17], $0x4E00  }
0x6a: {  	[sflag:s17] =	ssyncset.done $0x0  }
0x6b: {  	[sflag:s17] =	ssyncadd.s32 $0xFFFFB200  }
0x6c: {  	[spmem:s1] =	stream.indirect.scatter.add.f32 [tilespmem:s13], [sflag:$0x5], $0x20, s2, s8, $0xb8;
	[tilespmem:$0xFF80] =	vst v63  }
0x6d: {  	_ =	swait.ge [sflag:s5], $0x4E00  }
0x6e: {  	[sflag:s5] =	ssyncset.done $0x0  }
0x6f: {  	[sflag:s5] =	ssyncadd.s32 $0xFFFFB200  }
0x70: {  	[tilespmem:s2], [sflag:$0x1] =	stream.linear.gather [hbm4b:s15+s2], $0x270, $0x38;
	[tilespmem:$0xFF80] =	vst v63  }
0x71: {  	_ = 	snop  }
0x72: {  	[tilespmem:s13], [sflag:$0x3] =	stream.linear.gather [hbm4b:s16+s2], $0x4E00, $0x38;
	[tilespmem:$0xFF80] =	vst v63  }
0x73: {  	_ =	swait.ge [sflag:s14], $0x270  }
0x74: {  	[sflag:s14] =	ssyncset.done $0x0  }
0x75: {  	[sflag:s14] =	ssyncadd.s32 $0xFFFFFD90  }
0x76: {  	_ =	swait.ge [sflag:s11], $0x4E00  }
0x77: {  	[sflag:s11] =	ssyncset.done $0x0  }
0x78: {  	[sflag:s11] =	ssyncadd.s32 $0xFFFFB200  }
0x79: {  	[spmem:s1] =	stream.indirect.scatter.add.f32 [tilespmem:s9], [sflag:$0x5], $0x20, s8, s8, $0xb8;
	[tilespmem:$0xFF80] =	vst v63  }
0x7a: {  	_ =	swait.ge [sflag:s5], $0x4E00  }
0x7b: {  	[sflag:s5] =	ssyncset.done $0x0  }
0x7c: {  	[sflag:s5] =	ssyncadd.s32 $0xFFFFB200  }
0x7d: {  	[tilespmem:s8], [sflag:$0x2] =	stream.linear.gather [hbm4b:s10+s2], $0x270, $0x38;
	[tilespmem:$0xFF80] =	vst v63  }
0x7e: {  	_ = 	snop  }
0x7f: {  	[tilespmem:s9], [sflag:$0x4] =	stream.linear.gather [hbm4b:s12+s2], $0x4E00, $0x38;
	[tilespmem:$0xFF80] =	vst v63  }
0x80: {  	_ =	swait.ge [sflag:s18], $0x270  }
0x81: {  	[sflag:s18] =	ssyncset.done $0x0  }
0x82: {  	[sflag:s18] =	ssyncadd.s32 $0xFFFFFD90  }
0x83: {  	_ =	swait.ge [sflag:s17], $0x4E00  }
0x84: {  	[sflag:s17] =	ssyncset.done $0x0  }
0x85: {  	[sflag:s17] =	ssyncadd.s32 $0xFFFFB200  }
0x86: {  	[spmem:s1] =	stream.indirect.scatter.add.f32 [tilespmem:s13], [sflag:$0x5], $0x20, s2, s8, $0xb8;
	[tilespmem:$0xFF80] =	vst v63  }
0x87: {  	_ =	swait.ge [sflag:s5], $0x4E00  }
0x88: {  	[sflag:s5] =	ssyncset.done $0x0  }
0x89: {  	[sflag:s5] =	ssyncadd.s32 $0xFFFFB200  }
0x8a: {  	_ =	swait.ge [sflag:s14], $0x270  }
0x8b: {  	[sflag:s14] =	ssyncset.done $0x0  }
0x8c: {  	[sflag:s14] =	ssyncadd.s32 $0xFFFFFD90  }
0x8d: {  	_ =	swait.ge [sflag:s11], $0x4E00  }
0x8e: {  	[sflag:s11] =	ssyncset.done $0x0  }
0x8f: {  	[sflag:s11] =	ssyncadd.s32 $0xFFFFB200  }
0x90: {  	[spmem:s1] =	stream.indirect.scatter.add.f32 [tilespmem:s9], [sflag:$0x5], $0x20, s8, s8, $0xb8;
	[tilespmem:$0xFF80] =	vst v63  }
0x91: {  	_ =	swait.ge [sflag:s5], $0x4E00  }
0x92: {  	s28 =	simm.s32 @!p0 $0xA0E0;
	[sflag:s5] =	ssyncset.done $0x0  }
0x93: {  	s25 =	simm.s32 @!p0 $0x5;
	s4 =	simm.s32 @!p0 $0x0;
	[sflag:s5] =	ssyncadd.s32 $0xFFFFB200  }
0x94: {  	[tilespmem:s28], [sflag:$0x5] =	stream.linear.gather @!p0 [hbm4b:s7+s4], $0x80, $0x38;
	[tilespmem:$0xFF80] =	vst v63  }
0x95: {  	_ =	swait.ge @!p0 [sflag:s25], $0x80  }
0x96: {  	[sflag:s25] =	ssyncset.done @!p0 $0x0  }
0x97: {  	s29 =	simm.s32 @!p0 $0xA160;
	[sflag:s25] =	ssyncadd.s32 @!p0 $0xFFFFFF80  }
0x98: {  	[tilespmem:s29], [sflag:$0x5] =	stream.linear.gather @!p0 [hbm4b:s6+s4], $0x1000, $0x38;
	[tilespmem:$0xFF80] =	vst v63  }
0x99: {  	_ =	swait.ge @!p0 [sflag:s25], $0x1000  }
0x9a: {  	[sflag:s25] =	ssyncset.done @!p0 $0x0  }
0x9b: {  	s4 =	simm.s32 @!p0 $0x80;
	[sflag:s25] =	ssyncadd.s32 @!p0 $0xFFFFF000  }
0x9c: {  	[spmem:s1] =	stream.indirect.scatter.add.f32 @!p0 [tilespmem:s29], [sflag:$0x5], $0x20, s28, s4, $0xb8;
	[tilespmem:$0xFF80] =	vst v63  }
0x9d: {  	s31 =	sadd.s32 $0xFFFFFFFF, s31;
	_ =	swait.ge @!p0 [sflag:s25], $0x1000  }
0x9e: {  	p2 =	sne.s32 s31, $0x0;
	[sflag:s25] =	ssyncset.done @!p0 $0x0  }
.Ltmp1:
0x9f: {  	[sflag:s25] =	ssyncadd.s32 @!p0 $0xFFFFF000;
	(pc) =	sbr.rel @!p2 .LBB2_2-.Ltmp1, $4  }
0xa0: {  	[bflag:$0x0] =	sbarrier.arrive $0xFFFF  }
0xa1: {  	[hbm:s30], [sflag:s3] =	dma.local [spmem:s0], $0x9C4  }
0xa2: {  	_ =	swait.ge [sflag:s5], $0x9C4  }
0xa3: {  	p1 =	por $0x1, $0x1;
	s0 =	rddreg [dreg:$0x4];
	[sflag:s5] =	ssyncset.done $0x0  }
.LBB2_3:
0xa4: {  	s26 =	smov.u32 s24  }
0xa5: {  	s24 =	smov.u32 s23;
	s23 =	smov.u32 s22;
	s22 =	smov.u32 s21  }
0xa6: {  	s21 =	smov.u32 s20;
	s20 =	smov.u32 s19;
	s19 =	smov.u32 s16  }
0xa7: {  	s16 =	smov.u32 s15;
	s15 =	smov.u32 s12;
	s12 =	smov.u32 s10  }
0xa8: {  	s10 =	smov.u32 s7;
	s7 =	smov.u32 s6;
	s6 =	smov.u32 s30  }
0xa9: {  	s30 =	rddreg [dreg:$0x5];
	[sflag:s5] =	ssyncadd.s32 $0xFFFFF63C;
	s0 =	sshrl.u32 s0, $0x3  }
0xaa: {  	[spmem:s0], [sflag:s3] =	dma.local [hbm:s30], $0x9C4  }
0xab: {  	_ =	swait.ge [sflag:s5], $0x9C4  }
0xac: {  	[sflag:s5] =	ssyncset.done $0x0  }
0xad: {  	[sflag:s5] =	ssyncadd.s32 $0xFFFFF63C  }
0xae: {  	[bflag:$0x0] =	sbarrier.arrive $0xFFFF  }
0xaf: {  	s30 =	rddreg [dreg:$0x6]  }
0xb0: {  	[tilespmem:s2], [sflag:$0x1] =	stream.linear.gather [hbm4b:s30+s2], $0x270, $0x38;
	[tilespmem:$0xFF80] =	vst v63  }
0xb1: {  	s4 =	rddreg [dreg:$0x7]  }
0xb2: {  	[tilespmem:s13], [sflag:$0x3] =	stream.linear.gather [hbm4b:s4+s2], $0x4E00, $0x38;
	[tilespmem:$0xFF80] =	vst v63  }
0xb3: {  	s30 =	rddreg [dreg:$0x8]  }
0xb4: {  	[tilespmem:s8], [sflag:$0x2] =	stream.linear.gather [hbm4b:s30+s2], $0x270, $0x38;
	[tilespmem:$0xFF80] =	vst v63  }
0xb5: {  	s4 =	rddreg [dreg:$0x9]  }
0xb6: {  	[tilespmem:s9], [sflag:$0x4] =	stream.linear.gather [hbm4b:s4+s2], $0x4E00, $0x38;
	[tilespmem:$0xFF80] =	vst v63  }
0xb7: {  	_ =	swait.ge [sflag:s18], $0x270  }
0xb8: {  	[sflag:s18] =	ssyncset.done $0x0  }
0xb9: {  	[sflag:s18] =	ssyncadd.s32 $0xFFFFFD90  }
0xba: {  	_ =	swait.ge [sflag:s17], $0x4E00  }
0xbb: {  	[sflag:s17] =	ssyncset.done $0x0  }
0xbc: {  	[sflag:s17] =	ssyncadd.s32 $0xFFFFB200  }
0xbd: {  	[spmem:s1] =	stream.indirect.scatter.add.f32 [tilespmem:s13], [sflag:$0x5], $0x20, s2, s8, $0xb8;
	[tilespmem:$0xFF80] =	vst v63  }
0xbe: {  	_ =	swait.ge [sflag:s5], $0x4E00  }
0xbf: {  	[sflag:s5] =	ssyncset.done $0x0  }
0xc0: {  	s4 =	rddreg [dreg:$0xa];
	[sflag:s5] =	ssyncadd.s32 $0xFFFFB200  }
0xc1: {  	[tilespmem:s2], [sflag:$0x1] =	stream.linear.gather [hbm4b:s4+s2], $0x270, $0x38;
	[tilespmem:$0xFF80] =	vst v63  }
0xc2: {  	s30 =	rddreg [dreg:$0xb]  }
0xc3: {  	[tilespmem:s13], [sflag:$0x3] =	stream.linear.gather [hbm4b:s30+s2], $0x4E00, $0x38;
	[tilespmem:$0xFF80] =	vst v63  }
0xc4: {  	_ =	swait.ge [sflag:s14], $0x270  }
0xc5: {  	[sflag:s14] =	ssyncset.done $0x0  }
0xc6: {  	[sflag:s14] =	ssyncadd.s32 $0xFFFFFD90  }
0xc7: {  	s30 =	smov.u32 s6;
	s6 =	smov.u32 s7;
	_ =	swait.ge [sflag:s11], $0x4E00  }
0xc8: {  	s7 =	smov.u32 s10;
	s10 =	smov.u32 s12;
	[sflag:s11] =	ssyncset.done $0x0  }
0xc9: {  	s12 =	smov.u32 s15;
	s15 =	smov.u32 s16;
	[sflag:s11] =	ssyncadd.s32 $0xFFFFB200  }
0xca: {  	[spmem:s1] =	stream.indirect.scatter.add.f32 [tilespmem:s9], [sflag:$0x5], $0x20, s8, s8, $0xb8;
	[tilespmem:$0xFF80] =	vst v63  }
0xcb: {  	s16 =	smov.u32 s19;
	s19 =	smov.u32 s20;
	_ =	swait.ge [sflag:s5], $0x4E00  }
0xcc: {  	s20 =	smov.u32 s21;
	s21 =	smov.u32 s22;
	[sflag:s5] =	ssyncset.done $0x0  }
0xcd: {  	s22 =	smov.u32 s23;
	s23 =	smov.u32 s24;
	[sflag:s5] =	ssyncadd.s32 $0xFFFFB200  }
0xce: {  	[tilespmem:s8], [sflag:$0x2] =	stream.linear.gather [hbm4b:s23+s2], $0x270, $0x38;
	[tilespmem:$0xFF80] =	vst v63  }
0xcf: {  	_ = 	snop  }
0xd0: {  	[tilespmem:s9], [sflag:$0x4] =	stream.linear.gather [hbm4b:s26+s2], $0x4E00, $0x38;
	[tilespmem:$0xFF80] =	vst v63  }
0xd1: {  	_ =	swait.ge [sflag:s18], $0x270  }
0xd2: {  	[sflag:s18] =	ssyncset.done $0x0  }
0xd3: {  	[sflag:s18] =	ssyncadd.s32 $0xFFFFFD90  }
0xd4: {  	_ =	swait.ge [sflag:s17], $0x4E00  }
0xd5: {  	[sflag:s17] =	ssyncset.done $0x0  }
0xd6: {  	[sflag:s17] =	ssyncadd.s32 $0xFFFFB200  }
0xd7: {  	[spmem:s1] =	stream.indirect.scatter.add.f32 [tilespmem:s13], [sflag:$0x5], $0x20, s2, s8, $0xb8;
	[tilespmem:$0xFF80] =	vst v63  }
0xd8: {  	_ =	swait.ge [sflag:s5], $0x4E00  }
0xd9: {  	[sflag:s5] =	ssyncset.done $0x0  }
0xda: {  	[sflag:s5] =	ssyncadd.s32 $0xFFFFB200  }
0xdb: {  	[tilespmem:s2], [sflag:$0x1] =	stream.linear.gather [hbm4b:s21+s2], $0x270, $0x38;
	[tilespmem:$0xFF80] =	vst v63  }
0xdc: {  	_ = 	snop  }
0xdd: {  	[tilespmem:s13], [sflag:$0x3] =	stream.linear.gather [hbm4b:s22+s2], $0x4E00, $0x38;
	[tilespmem:$0xFF80] =	vst v63  }
0xde: {  	_ =	swait.ge [sflag:s14], $0x270  }
0xdf: {  	[sflag:s14] =	ssyncset.done $0x0  }
0xe0: {  	[sflag:s14] =	ssyncadd.s32 $0xFFFFFD90  }
0xe1: {  	_ =	swait.ge [sflag:s11], $0x4E00  }
0xe2: {  	[sflag:s11] =	ssyncset.done $0x0  }
0xe3: {  	[sflag:s11] =	ssyncadd.s32 $0xFFFFB200  }
0xe4: {  	[spmem:s1] =	stream.indirect.scatter.add.f32 [tilespmem:s9], [sflag:$0x5], $0x20, s8, s8, $0xb8;
	[tilespmem:$0xFF80] =	vst v63  }
0xe5: {  	_ =	swait.ge [sflag:s5], $0x4E00  }
0xe6: {  	[sflag:s5] =	ssyncset.done $0x0  }
0xe7: {  	[sflag:s5] =	ssyncadd.s32 $0xFFFFB200  }
0xe8: {  	[tilespmem:s8], [sflag:$0x2] =	stream.linear.gather [hbm4b:s19+s2], $0x270, $0x38;
	[tilespmem:$0xFF80] =	vst v63  }
0xe9: {  	_ = 	snop  }
0xea: {  	[tilespmem:s9], [sflag:$0x4] =	stream.linear.gather [hbm4b:s20+s2], $0x4E00, $0x38;
	[tilespmem:$0xFF80] =	vst v63  }
0xeb: {  	_ =	swait.ge [sflag:s18], $0x270  }
0xec: {  	[sflag:s18] =	ssyncset.done $0x0  }
0xed: {  	[sflag:s18] =	ssyncadd.s32 $0xFFFFFD90  }
0xee: {  	_ =	swait.ge [sflag:s17], $0x4E00  }
0xef: {  	[sflag:s17] =	ssyncset.done $0x0  }
0xf0: {  	[sflag:s17] =	ssyncadd.s32 $0xFFFFB200  }
0xf1: {  	[spmem:s1] =	stream.indirect.scatter.add.f32 [tilespmem:s13], [sflag:$0x5], $0x20, s2, s8, $0xb8;
	[tilespmem:$0xFF80] =	vst v63  }
0xf2: {  	_ =	swait.ge [sflag:s5], $0x4E00  }
0xf3: {  	[sflag:s5] =	ssyncset.done $0x0  }
0xf4: {  	[sflag:s5] =	ssyncadd.s32 $0xFFFFB200  }
0xf5: {  	[tilespmem:s2], [sflag:$0x1] =	stream.linear.gather [hbm4b:s15+s2], $0x270, $0x38;
	[tilespmem:$0xFF80] =	vst v63  }
0xf6: {  	_ = 	snop  }
0xf7: {  	[tilespmem:s13], [sflag:$0x3] =	stream.linear.gather [hbm4b:s16+s2], $0x4E00, $0x38;
	[tilespmem:$0xFF80] =	vst v63  }
0xf8: {  	_ =	swait.ge [sflag:s14], $0x270  }
0xf9: {  	[sflag:s14] =	ssyncset.done $0x0  }
0xfa: {  	[sflag:s14] =	ssyncadd.s32 $0xFFFFFD90  }
0xfb: {  	_ =	swait.ge [sflag:s11], $0x4E00  }
0xfc: {  	[sflag:s11] =	ssyncset.done $0x0  }
0xfd: {  	[sflag:s11] =	ssyncadd.s32 $0xFFFFB200  }
0xfe: {  	[spmem:s1] =	stream.indirect.scatter.add.f32 [tilespmem:s9], [sflag:$0x5], $0x20, s8, s8, $0xb8;
	[tilespmem:$0xFF80] =	vst v63  }
0xff: {  	_ =	swait.ge [sflag:s5], $0x4E00  }
0x100: {  	[sflag:s5] =	ssyncset.done $0x0  }
0x101: {  	[sflag:s5] =	ssyncadd.s32 $0xFFFFB200  }
0x102: {  	[tilespmem:s8], [sflag:$0x2] =	stream.linear.gather [hbm4b:s10+s2], $0x270, $0x38;
	[tilespmem:$0xFF80] =	vst v63  }
0x103: {  	_ = 	snop  }
0x104: {  	[tilespmem:s9], [sflag:$0x4] =	stream.linear.gather [hbm4b:s12+s2], $0x4E00, $0x38;
	[tilespmem:$0xFF80] =	vst v63  }
0x105: {  	_ =	swait.ge [sflag:s18], $0x270  }
0x106: {  	[sflag:s18] =	ssyncset.done $0x0  }
0x107: {  	[sflag:s18] =	ssyncadd.s32 $0xFFFFFD90  }
0x108: {  	_ =	swait.ge [sflag:s17], $0x4E00  }
0x109: {  	[sflag:s17] =	ssyncset.done $0x0  }
0x10a: {  	[sflag:s17] =	ssyncadd.s32 $0xFFFFB200  }
0x10b: {  	[spmem:s1] =	stream.indirect.scatter.add.f32 [tilespmem:s13], [sflag:$0x5], $0x20, s2, s8, $0xb8;
	[tilespmem:$0xFF80] =	vst v63  }
0x10c: {  	_ =	swait.ge [sflag:s5], $0x4E00  }
0x10d: {  	[sflag:s5] =	ssyncset.done $0x0  }
0x10e: {  	[sflag:s5] =	ssyncadd.s32 $0xFFFFB200  }
0x10f: {  	_ =	swait.ge [sflag:s14], $0x270  }
0x110: {  	[sflag:s14] =	ssyncset.done $0x0  }
0x111: {  	[sflag:s14] =	ssyncadd.s32 $0xFFFFFD90  }
0x112: {  	_ =	swait.ge [sflag:s11], $0x4E00  }
0x113: {  	[sflag:s11] =	ssyncset.done $0x0  }
0x114: {  	[sflag:s11] =	ssyncadd.s32 $0xFFFFB200  }
0x115: {  	[spmem:s1] =	stream.indirect.scatter.add.f32 [tilespmem:s9], [sflag:$0x5], $0x20, s8, s8, $0xb8;
	[tilespmem:$0xFF80] =	vst v63  }
0x116: {  	_ =	swait.ge [sflag:s5], $0x4E00  }
0x117: {  	[sflag:s5] =	ssyncset.done $0x0  }
0x118: {  	s4 =	simm.s32 @!p0 $0x0;
	[sflag:s5] =	ssyncadd.s32 $0xFFFFB200  }
0x119: {  	[tilespmem:s28], [sflag:$0x5] =	stream.linear.gather @!p0 [hbm4b:s7+s4], $0x80, $0x38;
	[tilespmem:$0xFF80] =	vst v63  }
0x11a: {  	_ =	swait.ge @!p0 [sflag:s25], $0x80  }
0x11b: {  	[sflag:s25] =	ssyncset.done @!p0 $0x0  }
0x11c: {  	[sflag:s25] =	ssyncadd.s32 @!p0 $0xFFFFFF80  }
0x11d: {  	[tilespmem:s29], [sflag:$0x5] =	stream.linear.gather @!p0 [hbm4b:s6+s4], $0x1000, $0x38;
	[tilespmem:$0xFF80] =	vst v63  }
0x11e: {  	_ =	swait.ge @!p0 [sflag:s25], $0x1000  }
0x11f: {  	[sflag:s25] =	ssyncset.done @!p0 $0x0  }
0x120: {  	s4 =	simm.s32 @!p0 $0x80;
	[sflag:s25] =	ssyncadd.s32 @!p0 $0xFFFFF000  }
0x121: {  	[spmem:s1] =	stream.indirect.scatter.add.f32 @!p0 [tilespmem:s29], [sflag:$0x5], $0x20, s28, s4, $0xb8;
	[tilespmem:$0xFF80] =	vst v63  }
0x122: {  	s31 =	sadd.s32 $0xFFFFFFFF, s31;
	_ =	swait.ge @!p0 [sflag:s25], $0x1000  }
0x123: {  	p2 =	sne.s32 s31, $0x0;
	[sflag:s25] =	ssyncset.done @!p0 $0x0  }
.Ltmp2:
0x124: {  	[sflag:s25] =	ssyncadd.s32 @!p0 $0xFFFFF000;
	(pc) =	sbr.rel @p2 .LBB2_3-.Ltmp2, $4  }
0x125: {  	[bflag:$0x0] =	sbarrier.arrive $0xFFFF  }
0x126: {  	[hbm:s30], [sflag:s3] =	dma.local [spmem:s0], $0x9C4  }
0x127: {  	_ =	swait.ge [sflag:s5], $0x9C4  }
0x128: {  	s24 =	smov.u32 s26;
	s0 =	rddreg [dreg:$0x4];
	[sflag:s5] =	ssyncset.done $0x0  }
0x129: {  	s26 =	rddreg [dreg:$0x3]  }
.LBB2_5:
0x12a: {  	s4 =	rddreg [dreg:$0x5];
	[sflag:s5] =	ssyncadd.s32 @p1 $0xFFFFF63C;
	s0 =	sshrl.u32 s0, $0x3  }
0x12b: {  	[spmem:s0], [sflag:s3] =	dma.local [hbm:s4], $0x9C4  }
0x12c: {  	_ =	swait.ge [sflag:s5], $0x9C4  }
0x12d: {  	[sflag:s5] =	ssyncset.done $0x0  }
0x12e: {  	[sflag:s5] =	ssyncadd.s32 $0xFFFFF63C  }
0x12f: {  	[bflag:$0x0] =	sbarrier.arrive $0xFFFF  }
0x130: {  	s29 =	rddreg [dreg:$0x6]  }
0x131: {  	[tilespmem:s2], [sflag:$0x1] =	stream.linear.gather [hbm4b:s29+s2], $0x270, $0x38;
	[tilespmem:$0xFF80] =	vst v63  }
0x132: {  	s25 =	rddreg [dreg:$0x7]  }
0x133: {  	[tilespmem:s13], [sflag:$0x3] =	stream.linear.gather [hbm4b:s25+s2], $0x4E00, $0x38;
	[tilespmem:$0xFF80] =	vst v63  }
0x134: {  	s31 =	rddreg [dreg:$0x8]  }
0x135: {  	[tilespmem:s8], [sflag:$0x2] =	stream.linear.gather [hbm4b:s31+s2], $0x270, $0x38;
	[tilespmem:$0xFF80] =	vst v63  }
0x136: {  	s28 =	rddreg [dreg:$0x9]  }
0x137: {  	[tilespmem:s9], [sflag:$0x4] =	stream.linear.gather [hbm4b:s28+s2], $0x4E00, $0x38;
	[tilespmem:$0xFF80] =	vst v63  }
0x138: {  	_ =	swait.ge [sflag:s18], $0x270  }
0x139: {  	[sflag:s18] =	ssyncset.done $0x0  }
0x13a: {  	[sflag:s18] =	ssyncadd.s32 $0xFFFFFD90  }
0x13b: {  	_ =	swait.ge [sflag:s17], $0x4E00  }
0x13c: {  	[sflag:s17] =	ssyncset.done $0x0  }
0x13d: {  	[sflag:s17] =	ssyncadd.s32 $0xFFFFB200  }
0x13e: {  	[spmem:s1] =	stream.indirect.scatter.add.f32 [tilespmem:s13], [sflag:$0x5], $0x20, s2, s8, $0xb8;
	[tilespmem:$0xFF80] =	vst v63  }
0x13f: {  	_ =	swait.ge [sflag:s5], $0x4E00  }
0x140: {  	[sflag:s5] =	ssyncset.done $0x0  }
0x141: {  	s29 =	rddreg [dreg:$0xa];
	[sflag:s5] =	ssyncadd.s32 $0xFFFFB200  }
0x142: {  	[tilespmem:s2], [sflag:$0x1] =	stream.linear.gather [hbm4b:s29+s2], $0x270, $0x38;
	[tilespmem:$0xFF80] =	vst v63  }
0x143: {  	s31 =	rddreg [dreg:$0xb]  }
0x144: {  	[tilespmem:s13], [sflag:$0x3] =	stream.linear.gather [hbm4b:s31+s2], $0x4E00, $0x38;
	[tilespmem:$0xFF80] =	vst v63  }
0x145: {  	_ =	swait.ge [sflag:s14], $0x270  }
0x146: {  	[sflag:s14] =	ssyncset.done $0x0  }
0x147: {  	[sflag:s14] =	ssyncadd.s32 $0xFFFFFD90  }
0x148: {  	_ =	swait.ge [sflag:s11], $0x4E00  }
0x149: {  	[sflag:s11] =	ssyncset.done $0x0  }
0x14a: {  	[sflag:s11] =	ssyncadd.s32 $0xFFFFB200  }
0x14b: {  	[spmem:s1] =	stream.indirect.scatter.add.f32 [tilespmem:s9], [sflag:$0x5], $0x20, s8, s8, $0xb8;
	[tilespmem:$0xFF80] =	vst v63  }
0x14c: {  	_ =	swait.ge [sflag:s5], $0x4E00  }
0x14d: {  	[sflag:s5] =	ssyncset.done $0x0  }
0x14e: {  	[sflag:s5] =	ssyncadd.s32 $0xFFFFB200  }
0x14f: {  	[tilespmem:s8], [sflag:$0x2] =	stream.linear.gather [hbm4b:s23+s2], $0x270, $0x38;
	[tilespmem:$0xFF80] =	vst v63  }
0x150: {  	_ = 	snop  }
0x151: {  	[tilespmem:s9], [sflag:$0x4] =	stream.linear.gather [hbm4b:s24+s2], $0x4E00, $0x38;
	[tilespmem:$0xFF80] =	vst v63  }
0x152: {  	_ =	swait.ge [sflag:s18], $0x270  }
0x153: {  	[sflag:s18] =	ssyncset.done $0x0  }
0x154: {  	[sflag:s18] =	ssyncadd.s32 $0xFFFFFD90  }
0x155: {  	_ =	swait.ge [sflag:s17], $0x4E00  }
0x156: {  	[sflag:s17] =	ssyncset.done $0x0  }
0x157: {  	[sflag:s17] =	ssyncadd.s32 $0xFFFFB200  }
0x158: {  	[spmem:s1] =	stream.indirect.scatter.add.f32 [tilespmem:s13], [sflag:$0x5], $0x20, s2, s8, $0xb8;
	[tilespmem:$0xFF80] =	vst v63  }
0x159: {  	_ =	swait.ge [sflag:s5], $0x4E00  }
0x15a: {  	[sflag:s5] =	ssyncset.done $0x0  }
0x15b: {  	[sflag:s5] =	ssyncadd.s32 $0xFFFFB200  }
0x15c: {  	[tilespmem:s2], [sflag:$0x1] =	stream.linear.gather [hbm4b:s21+s2], $0x270, $0x38;
	[tilespmem:$0xFF80] =	vst v63  }
0x15d: {  	_ = 	snop  }
0x15e: {  	[tilespmem:s13], [sflag:$0x3] =	stream.linear.gather [hbm4b:s22+s2], $0x4E00, $0x38;
	[tilespmem:$0xFF80] =	vst v63  }
0x15f: {  	_ =	swait.ge [sflag:s14], $0x270  }
0x160: {  	[sflag:s14] =	ssyncset.done $0x0  }
0x161: {  	[sflag:s14] =	ssyncadd.s32 $0xFFFFFD90  }
0x162: {  	_ =	swait.ge [sflag:s11], $0x4E00  }
0x163: {  	[sflag:s11] =	ssyncset.done $0x0  }
0x164: {  	[sflag:s11] =	ssyncadd.s32 $0xFFFFB200  }
0x165: {  	[spmem:s1] =	stream.indirect.scatter.add.f32 [tilespmem:s9], [sflag:$0x5], $0x20, s8, s8, $0xb8;
	[tilespmem:$0xFF80] =	vst v63  }
0x166: {  	_ =	swait.ge [sflag:s5], $0x4E00  }
0x167: {  	[sflag:s5] =	ssyncset.done $0x0  }
0x168: {  	[sflag:s5] =	ssyncadd.s32 $0xFFFFB200  }
0x169: {  	[tilespmem:s8], [sflag:$0x2] =	stream.linear.gather [hbm4b:s19+s2], $0x270, $0x38;
	[tilespmem:$0xFF80] =	vst v63  }
0x16a: {  	_ = 	snop  }
0x16b: {  	[tilespmem:s9], [sflag:$0x4] =	stream.linear.gather [hbm4b:s20+s2], $0x4E00, $0x38;
	[tilespmem:$0xFF80] =	vst v63  }
0x16c: {  	_ =	swait.ge [sflag:s18], $0x270  }
0x16d: {  	[sflag:s18] =	ssyncset.done $0x0  }
0x16e: {  	[sflag:s18] =	ssyncadd.s32 $0xFFFFFD90  }
0x16f: {  	_ =	swait.ge [sflag:s17], $0x4E00  }
0x170: {  	[sflag:s17] =	ssyncset.done $0x0  }
0x171: {  	[sflag:s17] =	ssyncadd.s32 $0xFFFFB200  }
0x172: {  	[spmem:s1] =	stream.indirect.scatter.add.f32 [tilespmem:s13], [sflag:$0x5], $0x20, s2, s8, $0xb8;
	[tilespmem:$0xFF80] =	vst v63  }
0x173: {  	_ =	swait.ge [sflag:s5], $0x4E00  }
0x174: {  	[sflag:s5] =	ssyncset.done $0x0  }
0x175: {  	[sflag:s5] =	ssyncadd.s32 $0xFFFFB200  }
0x176: {  	[tilespmem:s2], [sflag:$0x1] =	stream.linear.gather [hbm4b:s15+s2], $0x270, $0x38;
	[tilespmem:$0xFF80] =	vst v63  }
0x177: {  	_ = 	snop  }
0x178: {  	[tilespmem:s13], [sflag:$0x3] =	stream.linear.gather [hbm4b:s16+s2], $0x4E00, $0x38;
	[tilespmem:$0xFF80] =	vst v63  }
0x179: {  	_ =	swait.ge [sflag:s14], $0x270  }
0x17a: {  	[sflag:s14] =	ssyncset.done $0x0  }
0x17b: {  	[sflag:s14] =	ssyncadd.s32 $0xFFFFFD90  }
0x17c: {  	_ =	swait.ge [sflag:s11], $0x4E00  }
0x17d: {  	[sflag:s11] =	ssyncset.done $0x0  }
0x17e: {  	[sflag:s11] =	ssyncadd.s32 $0xFFFFB200  }
0x17f: {  	[spmem:s1] =	stream.indirect.scatter.add.f32 [tilespmem:s9], [sflag:$0x5], $0x20, s8, s8, $0xb8;
	[tilespmem:$0xFF80] =	vst v63  }
0x180: {  	_ =	swait.ge [sflag:s5], $0x4E00  }
0x181: {  	[sflag:s5] =	ssyncset.done $0x0  }
0x182: {  	[sflag:s5] =	ssyncadd.s32 $0xFFFFB200  }
0x183: {  	[tilespmem:s8], [sflag:$0x2] =	stream.linear.gather [hbm4b:s10+s2], $0x270, $0x38;
	[tilespmem:$0xFF80] =	vst v63  }
0x184: {  	_ = 	snop  }
0x185: {  	[tilespmem:s9], [sflag:$0x4] =	stream.linear.gather [hbm4b:s12+s2], $0x4E00, $0x38;
	[tilespmem:$0xFF80] =	vst v63  }
0x186: {  	_ =	swait.ge [sflag:s18], $0x270  }
0x187: {  	[sflag:s18] =	ssyncset.done $0x0  }
0x188: {  	[sflag:s18] =	ssyncadd.s32 $0xFFFFFD90  }
0x189: {  	_ =	swait.ge [sflag:s17], $0x4E00  }
0x18a: {  	[sflag:s17] =	ssyncset.done $0x0  }
0x18b: {  	[sflag:s17] =	ssyncadd.s32 $0xFFFFB200  }
0x18c: {  	[spmem:s1] =	stream.indirect.scatter.add.f32 [tilespmem:s13], [sflag:$0x5], $0x20, s2, s8, $0xb8;
	[tilespmem:$0xFF80] =	vst v63  }
0x18d: {  	_ =	swait.ge [sflag:s5], $0x4E00  }
0x18e: {  	[sflag:s5] =	ssyncset.done $0x0  }
0x18f: {  	[sflag:s5] =	ssyncadd.s32 $0xFFFFB200  }
0x190: {  	_ =	swait.ge [sflag:s14], $0x270  }
0x191: {  	[sflag:s14] =	ssyncset.done $0x0  }
0x192: {  	[sflag:s14] =	ssyncadd.s32 $0xFFFFFD90  }
0x193: {  	_ =	swait.ge [sflag:s11], $0x4E00  }
0x194: {  	[sflag:s11] =	ssyncset.done $0x0  }
0x195: {  	[sflag:s11] =	ssyncadd.s32 $0xFFFFB200  }
0x196: {  	[spmem:s1] =	stream.indirect.scatter.add.f32 [tilespmem:s9], [sflag:$0x5], $0x20, s8, s8, $0xb8;
	[tilespmem:$0xFF80] =	vst v63  }
0x197: {  	_ =	swait.ge [sflag:s5], $0x4E00  }
0x198: {  	s4 =	simm.s32 @!p0 $0x0;
	[sflag:s5] =	ssyncset.done $0x0  }
0x199: {  	s2 =	simm.s32 @!p0 $0x5;
	s8 =	simm.s32 @!p0 $0xA0E0;
	[sflag:s5] =	ssyncadd.s32 $0xFFFFB200  }
0x19a: {  	[tilespmem:s8], [sflag:$0x5] =	stream.linear.gather @!p0 [hbm4b:s7+s4], $0x80, $0x38;
	[tilespmem:$0xFF80] =	vst v63  }
0x19b: {  	_ =	swait.ge @!p0 [sflag:s2], $0x80  }
0x19c: {  	[sflag:s2] =	ssyncset.done @!p0 $0x0  }
0x19d: {  	s7 =	simm.s32 @!p0 $0xA160;
	[sflag:s2] =	ssyncadd.s32 @!p0 $0xFFFFFF80  }
0x19e: {  	[tilespmem:s7], [sflag:$0x5] =	stream.linear.gather @!p0 [hbm4b:s6+s4], $0x1000, $0x38;
	[tilespmem:$0xFF80] =	vst v63  }
0x19f: {  	_ =	swait.ge @!p0 [sflag:s2], $0x1000  }
0x1a0: {  	[sflag:s2] =	ssyncset.done @!p0 $0x0  }
0x1a1: {  	s4 =	simm.s32 @!p0 $0x80;
	[sflag:s2] =	ssyncadd.s32 @!p0 $0xFFFFF000  }
0x1a2: {  	[spmem:s1] =	stream.indirect.scatter.add.f32 @!p0 [tilespmem:s7], [sflag:$0x5], $0x20, s8, s4, $0xb8;
	[tilespmem:$0xFF80] =	vst v63  }
0x1a3: {  	_ =	swait.ge @!p0 [sflag:s2], $0x1000  }
0x1a4: {  	[sflag:s2] =	ssyncset.done @!p0 $0x0  }
0x1a5: {  	[sflag:s2] =	ssyncadd.s32 @!p0 $0xFFFFF000  }
0x1a6: {  	[bflag:$0x0] =	sbarrier.arrive $0xFFFF  }
0x1a7: {  	[hbm:s30], [sflag:s3] =	dma.local [spmem:s0], $0x9C4  }
0x1a8: {  	_ =	swait.ge [sflag:s5], $0x9C4  }
0x1a9: {  	[sflag:s5] =	ssyncset.done $0x0  }
0x1aa: {  	[sflag:s5] =	ssyncadd.s32 $0xFFFFF63C  }
0x1ab: {  	_ =	sfence.sel $0x180000  }
0x1ac: {  	[bflag:$0x0] =	sbarrier.arrive $0xFFFF  }
0x1ad: {  	_ =	strace $0x9000004A  }
0x1ae: {  	s0 =	sadd.s32 @!p0 $0x100000, s26;
	[bflag:$0x2] =	sbarrier.arrive $0xFFFF  }
0x1af: {  	[sflag:s0] =	ssyncadd.tile.s32 @!p0 $0x1;
	_ =	shalt  }
.LBB2_2:
.Ltmp3:
0x1b0: {  	(pc) =	sbr.rel .LBB2_5-.Ltmp3, $2  }
0x1b1: {  	_ =	sdelay $0x2  }
0x1b2: {  	s26 =	rddreg [dreg:$0x3]  }
.Lfunc_end2:
_tile_overlayer_lowered:
.L_overlay_start_2:
0x1b3: {  	(tag) =	ssettag $0x2  }
0x1b4: {  	s0 =	rddreg [dreg:$0x0];
	s2 =	stileid.u32  }
0x1b5: {  	s1 =	rddreg [dreg:$0x1];
	p0 =	sne.s32 s2, $0x0  }
0x1b6: {  	s3 =	rddreg [dreg:$0x2];
	[bflag:$0x3] =	sbarrier.arrive $0xFFFF;
	s2 =	simm.s32 @!p0 $0x1C05  }
0x1b7: {  	[timem:s3], [sflag:s2] =	dma.local @!p0 [hbm:s0], s1  }
0x1b8: {  	s0 =	simm.s32 @!p0 $0x5  }
0x1b9: {  	_ =	swait.ge @!p0 [sflag:s0], s1  }
0x1ba: {  	s1 =	ssub.s32 @!p0 $0x0, s1;
	[sflag:s0] =	ssyncset.done @!p0 $0x0  }
0x1bb: {  	[sflag:s0] =	ssyncadd.s32 @!p0 s1  }
0x1bc: {  	[bflag:$0x3] =	sbarrier.arrive $0xFFFF  }
0x1bd: {  	_ =	shalt  }

// kernel: kernel.7.cloned.1.call-start
scs
__scs_entry_jumppad:
0x0: {  	(pc) =	sbr.rel $0x88, $3  }
0x1: {  	(tag) =	ssettag $0x0;
	lr =	simm.s32 $0x1  }
0x2: {  	[smem:$0x3F9C] =	sst lr;
	_ =	strace $0xD0000000  }
0x3: {  	_ = 	snop  }
0x4: {  	_ = 	snop  }
0x5: {  	_ = 	snop  }
0x6: {  	_ = 	snop  }
0x7: {  	_ = 	snop  }
__scs_overlays_trampoline_lowered:
0x8: {  	[smem:$0x3FAB] =	sst s0  }
0x9: {  	[smem:$0x3FAC] =	sst s1  }
0xa: {  	[smem:$0x3FAD] =	sst s2  }
0xb: {  	[smem:$0x3FAE] =	sst s3  }
0xc: {  	[smem:$0x3FAF] =	sst s4  }
0xd: {  	[smem:$0x3FB0] =	sst s5  }
0xe: {  	[smem:$0x3FB1] =	sst s6  }
0xf: {  	[smem:$0x3FB2] =	sst s7  }
0x10: {  	[smem:$0x3FB3] =	sst s8  }
0x11: {  	[smem:$0x3FB4] =	sst s9;
	s0 =	simm.s32 @!p0 $0x0  }
0x12: {  	s1 =	sld [smem:$0x3F9A];
	s0 =	simm.s32 @p0 $0x1  }
0x13: {  	[smem:$0x3FB5] =	sst s0;
	s0 =	simm.s32 @!p1 $0x0  }
0x14: {  	s2 =	sld [smem:$0x3F99];
	s0 =	simm.s32 @p1 $0x1  }
0x15: {  	[smem:$0x3FB6] =	sst s0;
	s0 =	simm.s32 @!p2 $0x0  }
0x16: {  	s3 =	sld [smem:$0x3FDB];
	s0 =	simm.s32 @p2 $0x1  }
0x17: {  	s4 =	simm.s32 $0x1BF5;
	[smem:$0x3FB8] =	sst s0  }
0x18: {  	s0 =	sld [smem:$0x3F9B];
	_ =	swait.ge [sflag:s4], $0x0  }
0x19: {  	s7 =	sld [smem:$0x3F9C]  }
0x1a: {  	s8 =	sadd.s32 $0xFFFFE003, lr  }
0x1b: {  	s9 =	sadd.s32 $0xFFFFFEF7, lr;
	s5 =	simm.s32 $0xFFFFFFFF;
	p2 =	slt.u32 s8, $0xFFFFF086  }
0x1c: {  	p1 =	slt.u32 s9, $0xF7A;
	s5 =	simm.s32 @!p2 $0x0  }
0x1d: {  	s5 =	simm.s32 @p1 $0x1;
	p0 =	seq.s32 s7, s2  }
0x1e: {  	s7 =	smul.u32 @!p0 $0xF7A, s2;
	p2 =	seq.s32 @!p0 s5, $0x0  }
0x1f: {  	s9 =	smul.u32 $0xF7A, s1;
	s8 =	simm.s32 @!p0 $0x1BF5;
	p2 =	por !p2, p0  }
0x20: {  	[sflag:s8] =	ssyncset.s32 @!p0 $0xFFFFF086;
	s6 =	sadd.s32 @!p0 s3, s7;
	s7 =	simm.s32 @!p0 $0x108  }
0x21: {  	s3 =	sadd.s32 s3, s9;
	s6 =	sadd.s32 @!p0 $0x88, s6;
	s7 =	simm.s32 @p2 $0x1082  }
0x22: {  	[simem:s7], [sflag:s8] =	dma.local @!p0 [hbm:s6], $0xF7A  }
0x23: {  	s9 =	sor.u32 $0xD0000000, s2;
	s6 =	simm.s32 $0x108;
	_ =	swait.ge @!p0 [sflag:s8], $0x0  }
0x24: {  	s3 =	sadd.s32 $0x88, s3;
	s6 =	simm.s32 @!p1 $0x1082;
	[sflag:s4] =	ssyncset.s32 $0xFFFFF086  }
0x25: {  	[simem:s6], [sflag:s4] =	dma.local [hbm:s3], $0xF7A  }
0x26: {  	[smem:$0x3F9C] =	sst s1;
	(tag) =	ssettag s2;
	_ =	strace s9  }
0x27: {  	s1 =	sld [smem:$0x3FAC]  }
0x28: {  	s2 =	sld [smem:$0x3FAD]  }
0x29: {  	s4 =	sld [smem:$0x3FAF]  }
0x2a: {  	p0 =	seq.s32 s5, $0x0;
	s5 =	sld [smem:$0x3FB0]  }
0x2b: {  	s6 =	sld [smem:$0x3FB1]  }
0x2c: {  	s7 =	sld [smem:$0x3FB2]  }
0x2d: {  	s3 =	simm.s32 $0x108;
	s8 =	sld [smem:$0x3FB3]  }
0x2e: {  	s3 =	simm.s32 @!p0 $0x1082;
	s9 =	sld [smem:$0x3FB4]  }
0x2f: {  	lr =	sadd.s32 s0, s3;
	s0 =	sld [smem:$0x3FAB]  }
0x30: {  	s3 =	sld [smem:$0x3FAE]  }
0x31: {  	[smem:$0x3FB7] =	sst s10  }
0x32: {  	s10 =	sld [smem:$0x3FB5];
	_ =	sdelay $0x3  }
0x33: {  	p0 =	seq.s32 s10, $0x1;
	s10 =	sld [smem:$0x3FB7];
	_ =	sdelay $0x3  }
0x34: {  	[smem:$0x3FB7] =	sst s10  }
0x35: {  	s10 =	sld [smem:$0x3FB6];
	_ =	sdelay $0x3  }
0x36: {  	p1 =	seq.s32 s10, $0x1;
	s10 =	sld [smem:$0x3FB7];
	_ =	sdelay $0x3  }
0x37: {  	[smem:$0x3FB7] =	sst s10  }
0x38: {  	s10 =	sld [smem:$0x3FB8]  }
0x39: {  	_ = 	snop;
	(pc) =	sbr.ind lr, $3  }
0x3a: {  	_ = 	snop  }
0x3b: {  	_ = 	snop  }
0x3c: {  	p2 =	seq.s32 s10, $0x1;
	s10 =	sld [smem:$0x3FB7]  }
0x3d: {  	_ =	shalt  }
0x3e: {  	_ =	shalt  }
0x3f: {  	_ =	shalt  }
0x40: {  	_ =	shalt  }
0x41: {  	_ =	shalt  }
0x42: {  	_ =	shalt  }
0x43: {  	_ =	shalt  }
0x44: {  	_ =	shalt  }
0x45: {  	_ =	shalt  }
0x46: {  	_ =	shalt  }
0x47: {  	_ =	shalt  }
0x48: {  	_ =	shalt  }
0x49: {  	_ =	shalt  }
0x4a: {  	_ =	shalt  }
0x4b: {  	_ =	shalt  }
0x4c: {  	_ =	shalt  }
0x4d: {  	_ =	shalt  }
0x4e: {  	_ =	shalt  }
0x4f: {  	_ =	shalt  }
0x50: {  	_ =	shalt  }
0x51: {  	_ =	shalt  }
0x52: {  	_ =	shalt  }
0x53: {  	_ =	shalt  }
0x54: {  	_ =	shalt  }
0x55: {  	_ =	shalt  }
0x56: {  	_ =	shalt  }
0x57: {  	_ =	shalt  }
0x58: {  	_ =	shalt  }
0x59: {  	_ =	shalt  }
0x5a: {  	_ =	shalt  }
0x5b: {  	_ =	shalt  }
0x5c: {  	_ =	shalt  }
0x5d: {  	_ =	shalt  }
0x5e: {  	_ =	shalt  }
0x5f: {  	_ =	shalt  }
0x60: {  	_ =	shalt  }
0x61: {  	_ =	shalt  }
0x62: {  	_ =	shalt  }
0x63: {  	_ =	shalt  }
0x64: {  	_ =	shalt  }
0x65: {  	_ =	shalt  }
0x66: {  	_ =	shalt  }
0x67: {  	_ =	shalt  }
0x68: {  	_ =	shalt  }
0x69: {  	_ =	shalt  }
0x6a: {  	_ =	shalt  }
0x6b: {  	_ =	shalt  }
0x6c: {  	_ =	shalt  }
0x6d: {  	_ =	shalt  }
0x6e: {  	_ =	shalt  }
0x6f: {  	_ =	shalt  }
0x70: {  	_ =	shalt  }
0x71: {  	_ =	shalt  }
0x72: {  	_ =	shalt  }
0x73: {  	_ =	shalt  }
0x74: {  	_ =	shalt  }
0x75: {  	_ =	shalt  }
0x76: {  	_ =	shalt  }
0x77: {  	_ =	shalt  }
0x78: {  	_ =	shalt  }
0x79: {  	_ =	shalt  }
0x7a: {  	_ =	shalt  }
0x7b: {  	_ =	shalt  }
0x7c: {  	_ =	shalt  }
0x7d: {  	_ =	shalt  }
0x7e: {  	_ =	shalt  }
0x7f: {  	_ =	shalt  }
0x80: {  	_ =	shalt  }
0x81: {  	_ =	shalt  }
0x82: {  	_ =	shalt  }
0x83: {  	_ =	shalt  }
0x84: {  	_ =	shalt  }
0x85: {  	_ =	shalt  }
0x86: {  	_ =	shalt  }
0x87: {  	_ =	shalt  }
.Lfunc_end0:
.L_simem_size_0:
called_computation_lowered:
.L_overlay_start_0:
0x88: {  	s2 =	sld [smem:$0x3FD9]  }
0x89: {  	s3 =	sld [smem:$0x3FFE];
	_ =	sdelay $0x1  }
0x8a: {  	s1 =	srdreg.scid  }
0x8b: {  	s0 =	sand.u32 $0x1, s1  }
0x8c: {  	s17 =	sshll.u32 s0, $0xA;
	s2 =	sadd.s32 s3, s2  }
0x8d: {  	s2 =	sadd.s32 s2, s17  }
0x8e: {  	[smem:$0x3FC3] =	sst s2  }
0x8f: {  	_ = 	snop  }
0x90: {  	s2 =	sld [smem:$0x3FD0];
	(tm) =	ssettm $0x1  }
0x91: {  	s18 =	sld [smem:$0x3FFB];
	_ =	sdelay $0x3  }
0x92: {  	_ =	strace s18  }
0x93: {  	s3 =	sld [smem:$0x3FFC];
	_ =	sdelay $0x3  }
0x94: {  	_ =	strace s3  }
0x95: {  	s3 =	sld [smem:$0x3FFD];
	_ =	sdelay $0x3  }
0x96: {  	_ =	strace s3  }
0x97: {  	_ =	strace $0x8FFFFFFF  }
0x98: {  	s19 =	sld [smem:$0x3FDB];
	_ =	sdelay $0x1  }
0x99: {  	s4 =	simm.s32 $_scs_section_size  }
0x9a: {  	s5 =	simm.s32 $_size__tile_overlayer_lowered;
	s6 =	simm.s32 $_tile_overlayer_lowered  }
0x9b: {  	s22 =	simm.s32 $0x1BFF;
	s21 =	sshll.u32 s6, $0x1;
	s3 =	sadd.s32 s4, s19  }
0x9c: {  	s7 =	simm.s32 $0x0;
	s20 =	sshll.u32 s5, $0x1;
	s5 =	sadd.s32 s21, s3  }
0x9d: {  	[timem:s7], [sflag:s22] =	dma.local [hbm:s5], s20  }
0x9e: {  	_ =	swait.ge [sflag:s22], s20  }
0x9f: {  	s4 =	ssub.s32 $0x0, s20;
	[sflag:s22] =	ssyncset.done $0x0  }
0xa0: {  	[sflag:s22] =	ssyncadd.s32 s4;
	_ =	sdelay $0x1  }
0xa1: {  	s23 =	simm.s32 $0x1B8B  }
0xa2: {  	_ =	swait.ge [sflag:s23], $0x1  }
0xa3: {  	[sflag:s23] =	ssyncset.done $0x0  }
0xa4: {  	s25 =	simm.s32 $0x1B8E;
	s24 =	sld [smem:$0x3FFE];
	[sflag:s23] =	ssyncadd.s32 $0xFFFFFFFF  }
0xa5: {  	s26 =	simm.s32 $execute0_lowered;
	[smem:$0x3FD2] =	sst s25  }
0xa6: {  	s5 =	sshll.u32 s26, $0x1;
	_ =	strace $0x80000046;
	[dreg:$0x1] =	wrdreg $0xFFFFFFFF  }
0xa7: {  	s28 =	simm.s32 $_size_execute0_lowered;
	s3 =	sadd.s32 s3, s5;
	[dreg:$0x0] =	wrdreg $0x0  }
0xa8: {  	s5 =	sshll.u32 s28, $0x1;
	[dreg:$0x2] =	wrdreg s3  }
0xa9: {  	[dreg:$0x3] =	wrdreg s5  }
0xaa: {  	[dreg:$0x4] =	wrdreg $0xC0  }
0xab: {  	_ =	task [dreg:s7], $0x5FFFF  }
0xac: {  	[dreg:$0x1] =	wrdreg $0xFFFFFFFF  }
0xad: {  	[dreg:$0x0] =	wrdreg $0x60  }
0xae: {  	[dreg:$0x2] =	wrdreg s2  }
0xaf: {  	[dreg:$0x3] =	wrdreg s24  }
0xb0: {  	[dreg:$0x4] =	wrdreg $0x9  }
0xb1: {  	_ =	task.clear_ibuf [dreg:s7], $0x5FFFF;
	_ =	strace $0x90000046  }
0xb2: {  	s29 =	simm.s32 $0x9;
	_ =	strace $0x80000048  }
0xb3: {  	_ =	swait.ge [sflag:s29], $0x1  }
0xb4: {  	[sflag:s29] =	ssyncadd.s32 $0xFFFFFFFF  }
0xb5: {  	_ =	strace $0x90000048  }
0xb6: {  	_ =	sfence  }
0xb7: {  	s30 =	sld [smem:$0x0];
	_ =	sdelay $0x2  }
0xb8: {  	s31 =	sshll.u32 s1, $0xD;
	s1 =	sshrl.u32 s1, $0x2  }
0xb9: {  	s3 =	sand.u32 $0x4000, s31;
	s1 =	sadd.s32 s1, s30  }
0xba: {  	s0 =	sor.u32 s3, s0;
	s1 =	sshll.u32 s1, $0x11  }
0xbb: {  	s0 =	sor.u32 s1, s0  }
0xbc: {  	s0 =	sadd.s32 $0x8F2B, s0  }
0xbd: {  	[sflag:s0] =	ssyncadd.remote.s32 $0x1  }
0xbe: {  	_ =	sfence.sel $0xFFFF  }
0xbf: {  	[dreg:$0x0] =	wrdreg $0xFFFFFFFF;
	(pc) =	sbr.abs _section_cstart, $3  }
0xc0: {  	[dreg:$0x1] =	wrdreg $0xFFFFFFFF  }
0xc1: {  	_ =	task.clear_ibuf [dreg:s7], $0x2FFFF;
	_ =	strace $0x9FFFFFFF  }
0xc2: {  	(tm) =	ssettm $0x7FFFFFFF  }
0xc3: {  	_ =	shalt  }
tec
execute0_lowered:
.L_overlay_start_1:
0x0: {  	(tag) =	ssettag $0x1  }
0x1: {  	s0 =	srdreg.scid;
	s24 =	stileid.u32  }
0x2: {  	s0 =	sand.u32 $0x1, s0;
	s2 =	sshll.u32 s24, $0x1  }
0x3: {  	s1 =	rddreg [dreg:$0x0];
	s4 =	sor.u32 s0, s2  }
0x4: {  	s3 =	rddreg [dreg:$0x1];
	s2 =	simm.s32 $0x0;
	s19 =	smul.u32 $0x1380, s4  }
0x5: {  	[smem:$0x7FF] =	sst s2;
	s4 =	smul.u32 $0x4E00, s4  }
0x6: {  	s23 =	sadd.s32 $0x1400, s3;
	s28 =	sadd.s32 $0x6400, s3;
	_ =	strace $0x80000047  }
0x7: {  	s5 =	sshrl.u32 s19, $0x3;
	s12 =	sadd.s32 $0x270, s19;
	s25 =	sadd.s32 s28, s4  }
0x8: {  	s5 =	sadd.s32 s23, s5;
	s6 =	sshrl.u32 s12, $0x3;
	[dreg:$0x6] =	wrdreg s25  }
0x9: {  	s14 =	sadd.s32 $0x4E0, s19;
	[dreg:$0x3] =	wrdreg s5;
	s18 =	sadd.s32 s23, s6  }
0xa: {  	s20 =	sshrl.u32 s14, $0x3;
	[dreg:$0x4] =	wrdreg s18  }
0xb: {  	s21 =	sadd.s32 s23, s20;
	s22 =	rddreg [dreg:$0x3]  }
0xc: {  	s3 =	simm.s32 $0x1;
	[dreg:$0x5] =	wrdreg s21  }
0xd: {  	[tilespmem:s2], [sflag:$0x1] =	stream.linear.gather [hbm4b:s22+s2], $0x270, $0x38;
	[tilespmem:$0xB160] =	vst v63  }
0xe: {  	_ =	swait.ge [sflag:s3], $0x270  }
0xf: {  	[sflag:s3] =	ssyncset.done $0x0  }
0x10: {  	s4 =	simm.s32 $0x270;
	s5 =	simm.s32 $0x4E0;
	[sflag:s3] =	ssyncadd.s32 $0xFFFFFD90  }
0x11: {  	[tilespmem:s5], [sflag:$0x3] =	stream.indirect.gather [hbm4b:s1+s4], $0x20, s2, s4, $0xb8;
	[tilespmem:$0xB160] =	vst v63  }
0x12: {  	s6 =	simm.s32 $0x2;
	s7 =	rddreg [dreg:$0x4]  }
0x13: {  	[tilespmem:s4], [sflag:$0x2] =	stream.linear.gather [hbm4b:s7+s2], $0x270, $0x38;
	[tilespmem:$0xB160] =	vst v63  }
0x14: {  	_ =	swait.ge [sflag:s6], $0x270  }
0x15: {  	[sflag:s6] =	ssyncset.done $0x0  }
0x16: {  	s7 =	simm.s32 $0x52E0;
	[sflag:s6] =	ssyncadd.s32 $0xFFFFFD90  }
0x17: {  	[tilespmem:s7], [sflag:$0x4] =	stream.indirect.gather [hbm4b:s1+s4], $0x20, s4, s4, $0xb8;
	[tilespmem:$0xB160] =	vst v63  }
0x18: {  	s8 =	simm.s32 $0x3;
	s9 =	rddreg [dreg:$0x5]  }
0x19: {  	[tilespmem:s2], [sflag:$0x1] =	stream.linear.gather [hbm4b:s9+s2], $0x270, $0x38;
	[tilespmem:$0xB160] =	vst v63  }
0x1a: {  	_ =	swait.ge [sflag:s8], $0x4E00  }
0x1b: {  	[sflag:s8] =	ssyncset.done $0x0  }
0x1c: {  	s9 =	simm.s32 $0x5;
	s10 =	rddreg [dreg:$0x6];
	[sflag:s8] =	ssyncadd.s32 $0xFFFFB200  }
0x1d: {  	[hbm4b:s10+s2] =	stream.linear.scatter [tilespmem:s5], [sflag:$0x5], $0x4E00, $0x38;
	[tilespmem:$0xB160] =	vst v63  }
0x1e: {  	_ =	swait.ge [sflag:s9], $0x4E00  }
0x1f: {  	[sflag:s9] =	ssyncset.done $0x0  }
0x20: {  	[sflag:s9] =	ssyncadd.s32 $0xFFFFB200  }
0x21: {  	_ =	swait.ge [sflag:s3], $0x270  }
0x22: {  	s16 =	sadd.s32 $0x750, s19;
	[sflag:s3] =	ssyncset.done $0x0  }
0x23: {  	s26 =	sshrl.u32 s16, $0x3;
	[sflag:s3] =	ssyncadd.s32 $0xFFFFFD90  }
0x24: {  	[tilespmem:s5], [sflag:$0x3] =	stream.indirect.gather [hbm4b:s1+s4], $0x20, s2, s4, $0xb8;
	[tilespmem:$0xB160] =	vst v63  }
0x25: {  	s11 =	simm.s32 $0x4;
	s10 =	sadd.s32 s23, s26  }
0x26: {  	[tilespmem:s4], [sflag:$0x2] =	stream.linear.gather [hbm4b:s10+s2], $0x270, $0x38;
	[tilespmem:$0xB160] =	vst v63  }
0x27: {  	_ =	swait.ge [sflag:s11], $0x4E00  }
0x28: {  	s12 =	sshll.u32 s12, $0x2;
	[sflag:s11] =	ssyncset.done $0x0  }
0x29: {  	s12 =	sadd.s32 s28, s12;
	[sflag:s11] =	ssyncadd.s32 $0xFFFFB200  }
0x2a: {  	[hbm4b:s12+s2] =	stream.linear.scatter [tilespmem:s7], [sflag:$0x5], $0x4E00, $0x38;
	[tilespmem:$0xB160] =	vst v63  }
0x2b: {  	_ =	swait.ge [sflag:s9], $0x4E00  }
0x2c: {  	[sflag:s9] =	ssyncset.done $0x0  }
0x2d: {  	[sflag:s9] =	ssyncadd.s32 $0xFFFFB200  }
0x2e: {  	_ =	swait.ge [sflag:s6], $0x270  }
0x2f: {  	s18 =	sadd.s32 $0x9C0, s19;
	[sflag:s6] =	ssyncset.done $0x0  }
0x30: {  	s13 =	sshrl.u32 s18, $0x3;
	[sflag:s6] =	ssyncadd.s32 $0xFFFFFD90  }
0x31: {  	[tilespmem:s7], [sflag:$0x4] =	stream.indirect.gather [hbm4b:s1+s4], $0x20, s4, s4, $0xb8;
	[tilespmem:$0xB160] =	vst v63  }
0x32: {  	s13 =	sadd.s32 s23, s13  }
0x33: {  	[tilespmem:s2], [sflag:$0x1] =	stream.linear.gather [hbm4b:s13+s2], $0x270, $0x38;
	[tilespmem:$0xB160] =	vst v63  }
0x34: {  	_ =	swait.ge [sflag:s8], $0x4E00  }
0x35: {  	s14 =	sshll.u32 s14, $0x2;
	[sflag:s8] =	ssyncset.done $0x0  }
0x36: {  	s14 =	sadd.s32 s28, s14;
	[sflag:s8] =	ssyncadd.s32 $0xFFFFB200  }
0x37: {  	[hbm4b:s14+s2] =	stream.linear.scatter [tilespmem:s5], [sflag:$0x5], $0x4E00, $0x38;
	[tilespmem:$0xB160] =	vst v63  }
0x38: {  	_ =	swait.ge [sflag:s9], $0x4E00  }
0x39: {  	[sflag:s9] =	ssyncset.done $0x0  }
0x3a: {  	[sflag:s9] =	ssyncadd.s32 $0xFFFFB200  }
0x3b: {  	_ =	swait.ge [sflag:s3], $0x270  }
0x3c: {  	s20 =	sadd.s32 $0xC30, s19;
	[sflag:s3] =	ssyncset.done $0x0  }
0x3d: {  	s15 =	sshrl.u32 s20, $0x3;
	[sflag:s3] =	ssyncadd.s32 $0xFFFFFD90  }
0x3e: {  	[tilespmem:s5], [sflag:$0x3] =	stream.indirect.gather [hbm4b:s1+s4], $0x20, s2, s4, $0xb8;
	[tilespmem:$0xB160] =	vst v63  }
0x3f: {  	s15 =	sadd.s32 s23, s15  }
0x40: {  	[tilespmem:s4], [sflag:$0x2] =	stream.linear.gather [hbm4b:s15+s2], $0x270, $0x38;
	[tilespmem:$0xB160] =	vst v63  }
0x41: {  	_ =	swait.ge [sflag:s11], $0x4E00  }
0x42: {  	s16 =	sshll.u32 s16, $0x2;
	[sflag:s11] =	ssyncset.done $0x0  }
0x43: {  	s16 =	sadd.s32 s28, s16;
	[sflag:s11] =	ssyncadd.s32 $0xFFFFB200  }
0x44: {  	[hbm4b:s16+s2] =	stream.linear.scatter [tilespmem:s7], [sflag:$0x5], $0x4E00, $0x38;
	[tilespmem:$0xB160] =	vst v63  }
0x45: {  	_ =	swait.ge [sflag:s9], $0x4E00  }
0x46: {  	[sflag:s9] =	ssyncset.done $0x0  }
0x47: {  	[sflag:s9] =	ssyncadd.s32 $0xFFFFB200  }
0x48: {  	_ =	swait.ge [sflag:s6], $0x270  }
0x49: {  	s21 =	sadd.s32 $0xEA0, s19;
	[sflag:s6] =	ssyncset.done $0x0  }
0x4a: {  	s17 =	sshrl.u32 s21, $0x3;
	[sflag:s6] =	ssyncadd.s32 $0xFFFFFD90  }
0x4b: {  	[tilespmem:s7], [sflag:$0x4] =	stream.indirect.gather [hbm4b:s1+s4], $0x20, s4, s4, $0xb8;
	[tilespmem:$0xB160] =	vst v63  }
0x4c: {  	s17 =	sadd.s32 s23, s17  }
0x4d: {  	[tilespmem:s2], [sflag:$0x1] =	stream.linear.gather [hbm4b:s17+s2], $0x270, $0x38;
	[tilespmem:$0xB160] =	vst v63  }
0x4e: {  	_ =	swait.ge [sflag:s8], $0x4E00  }
0x4f: {  	s18 =	sshll.u32 s18, $0x2;
	[sflag:s8] =	ssyncset.done $0x0  }
0x50: {  	s18 =	sadd.s32 s28, s18;
	[sflag:s8] =	ssyncadd.s32 $0xFFFFB200  }
0x51: {  	[hbm4b:s18+s2] =	stream.linear.scatter [tilespmem:s5], [sflag:$0x5], $0x4E00, $0x38;
	[tilespmem:$0xB160] =	vst v63  }
0x52: {  	_ =	swait.ge [sflag:s9], $0x4E00  }
0x53: {  	[sflag:s9] =	ssyncset.done $0x0  }
0x54: {  	[sflag:s9] =	ssyncadd.s32 $0xFFFFB200  }
0x55: {  	_ =	swait.ge [sflag:s3], $0x270  }
0x56: {  	s22 =	sadd.s32 $0x1110, s19;
	[sflag:s3] =	ssyncset.done $0x0  }
0x57: {  	s19 =	sshrl.u32 s22, $0x3;
	[sflag:s3] =	ssyncadd.s32 $0xFFFFFD90  }
0x58: {  	[tilespmem:s5], [sflag:$0x3] =	stream.indirect.gather [hbm4b:s1+s4], $0x20, s2, s4, $0xb8;
	[tilespmem:$0xB160] =	vst v63  }
0x59: {  	s19 =	sadd.s32 s23, s19  }
0x5a: {  	[tilespmem:s4], [sflag:$0x2] =	stream.linear.gather [hbm4b:s19+s2], $0x270, $0x38;
	[tilespmem:$0xB160] =	vst v63  }
0x5b: {  	_ =	swait.ge [sflag:s11], $0x4E00  }
0x5c: {  	s20 =	sshll.u32 s20, $0x2;
	[sflag:s11] =	ssyncset.done $0x0  }
0x5d: {  	s20 =	sadd.s32 s28, s20;
	[sflag:s11] =	ssyncadd.s32 $0xFFFFB200  }
0x5e: {  	[hbm4b:s20+s2] =	stream.linear.scatter [tilespmem:s7], [sflag:$0x5], $0x4E00, $0x38;
	[tilespmem:$0xB160] =	vst v63  }
0x5f: {  	_ =	swait.ge [sflag:s9], $0x4E00  }
0x60: {  	[sflag:s9] =	ssyncset.done $0x0  }
0x61: {  	[sflag:s9] =	ssyncadd.s32 $0xFFFFB200  }
0x62: {  	_ =	swait.ge [sflag:s6], $0x270  }
0x63: {  	[sflag:s6] =	ssyncset.done $0x0  }
0x64: {  	[sflag:s6] =	ssyncadd.s32 $0xFFFFFD90  }
0x65: {  	[tilespmem:s7], [sflag:$0x4] =	stream.indirect.gather [hbm4b:s1+s4], $0x20, s4, s4, $0xb8;
	[tilespmem:$0xB160] =	vst v63  }
0x66: {  	_ =	swait.ge [sflag:s8], $0x4E00  }
0x67: {  	s21 =	sshll.u32 s21, $0x2;
	[sflag:s8] =	ssyncset.done $0x0  }
0x68: {  	s21 =	sadd.s32 s28, s21;
	[sflag:s8] =	ssyncadd.s32 $0xFFFFB200  }
0x69: {  	[hbm4b:s21+s2] =	stream.linear.scatter [tilespmem:s5], [sflag:$0x5], $0x4E00, $0x38;
	[tilespmem:$0xB160] =	vst v63  }
0x6a: {  	_ =	swait.ge [sflag:s9], $0x4E00  }
0x6b: {  	[sflag:s9] =	ssyncset.done $0x0  }
0x6c: {  	[sflag:s9] =	ssyncadd.s32 $0xFFFFB200  }
0x6d: {  	p0 =	sne.s32 s24, $0x0;
	s25 =	sshll.u32 s0, $0x7;
	_ =	swait.ge [sflag:s11], $0x4E00  }
0x6e: {  	s25 =	sor.u32 $0x27000, s25;
	s22 =	sshll.u32 s22, $0x2;
	[sflag:s11] =	ssyncset.done $0x0  }
0x6f: {  	s22 =	sadd.s32 s28, s22;
	[dreg:$0x7] =	wrdreg s25;
	[sflag:s11] =	ssyncadd.s32 $0xFFFFB200  }
0x70: {  	[hbm4b:s22+s2] =	stream.linear.scatter [tilespmem:s7], [sflag:$0x5], $0x4E00, $0x38;
	[tilespmem:$0xB160] =	vst v63  }
0x71: {  	s24 =	simm.s32 @!p0 $0x5;
	s0 =	ssub.s32 $0x2, s0;
	_ =	swait.ge [sflag:s9], $0x4E00  }
0x72: {  	s26 =	simm.s32 @!p0 $0xA0E0;
	s25 =	sshrl.u32 s25, $0x3;
	[sflag:s9] =	ssyncset.done $0x0  }
0x73: {  	s23 =	sadd.s32 s23, s25;
	s25 =	simm.s32 @!p0 $0x0;
	[sflag:s9] =	ssyncadd.s32 $0xFFFFB200  }
0x74: {  	[tilespmem:s26], [sflag:$0x5] =	stream.linear.gather @!p0 [hbm4b:s23+s25], $0x80, $0x38;
	[tilespmem:$0xB160] =	vst v63  }
0x75: {  	s31 =	sshrl.u32 s0, $0x1;
	_ =	swait.ge @!p0 [sflag:s24], $0x80  }
0x76: {  	s30 =	simm.s32 @!p0 $0x80;
	s0 =	ssub.s32 s0, s31;
	[sflag:s24] =	ssyncset.done @!p0 $0x0  }
0x77: {  	s29 =	simm.s32 @!p0 $0xA160;
	s0 =	smax.u32 s0, $0x1;
	[sflag:s24] =	ssyncadd.s32 @!p0 $0xFFFFFF80  }
0x78: {  	[tilespmem:s29], [sflag:$0x3] =	stream.indirect.gather @!p0 [hbm4b:s1+s30], $0x20, s26, s30, $0xb8;
	[tilespmem:$0xB160] =	vst v63  }
0x79: {  	s0 =	sadd.s32 $0xFFFFFFFF, s0;
	s30 =	simm.s32 @!p0 $0x3  }
0x7a: {  	p1 =	sne.s32 s0, $0x0;
	_ =	swait.ge @!p0 [sflag:s30], $0x1000  }
.Ltmp0:
0x7b: {  	s31 =	rddreg [dreg:$0x7];
	(pc) =	sbr.rel @!p1 .LBB2_2-.Ltmp0, $4  }
0x7c: {  	[sflag:s30] =	ssyncset.done @!p0 $0x0;
	s31 =	sshll.u32 s31, $0x2  }
0x7d: {  	[sflag:s30] =	ssyncadd.s32 @!p0 $0xFFFFF000;
	s31 =	sadd.s32 s28, s31  }
0x7e: {  	[hbm4b:s31+s25] =	stream.linear.scatter @!p0 [tilespmem:s29], [sflag:$0x5], $0x1000, $0x38;
	[tilespmem:$0xB160] =	vst v63  }
0x7f: {  	_ =	swait.ge @!p0 [sflag:s24], $0x1000  }
.LBB2_1:
0x80: {  	[sflag:s24] =	ssyncset.done @!p0 $0x0  }
0x81: {  	s28 =	rddreg [dreg:$0x3];
	[sflag:s24] =	ssyncadd.s32 @!p0 $0xFFFFF000  }
0x82: {  	[tilespmem:s2], [sflag:$0x1] =	stream.linear.gather [hbm4b:s28+s2], $0x270, $0x38;
	[tilespmem:$0xB160] =	vst v63  }
0x83: {  	_ =	swait.ge [sflag:s3], $0x270  }
0x84: {  	[sflag:s3] =	ssyncset.done $0x0  }
0x85: {  	[sflag:s3] =	ssyncadd.s32 $0xFFFFFD90  }
0x86: {  	[tilespmem:s5], [sflag:$0x3] =	stream.indirect.gather [hbm4b:s1+s4], $0x20, s2, s4, $0xb8;
	[tilespmem:$0xB160] =	vst v63  }
0x87: {  	s28 =	rddreg [dreg:$0x4]  }
0x88: {  	[tilespmem:s4], [sflag:$0x2] =	stream.linear.gather [hbm4b:s28+s2], $0x270, $0x38;
	[tilespmem:$0xB160] =	vst v63  }
0x89: {  	_ =	swait.ge [sflag:s6], $0x270  }
0x8a: {  	[sflag:s6] =	ssyncset.done $0x0  }
0x8b: {  	[sflag:s6] =	ssyncadd.s32 $0xFFFFFD90  }
0x8c: {  	[tilespmem:s7], [sflag:$0x4] =	stream.indirect.gather [hbm4b:s1+s4], $0x20, s4, s4, $0xb8;
	[tilespmem:$0xB160] =	vst v63  }
0x8d: {  	s28 =	rddreg [dreg:$0x5]  }
0x8e: {  	[tilespmem:s2], [sflag:$0x1] =	stream.linear.gather [hbm4b:s28+s2], $0x270, $0x38;
	[tilespmem:$0xB160] =	vst v63  }
0x8f: {  	_ =	swait.ge [sflag:s8], $0x4E00  }
0x90: {  	[sflag:s8] =	ssyncset.done $0x0  }
0x91: {  	s28 =	rddreg [dreg:$0x6];
	[sflag:s8] =	ssyncadd.s32 $0xFFFFB200  }
0x92: {  	[hbm4b:s28+s2] =	stream.linear.scatter [tilespmem:s5], [sflag:$0x5], $0x4E00, $0x38;
	[tilespmem:$0xB160] =	vst v63  }
0x93: {  	_ =	swait.ge [sflag:s9], $0x4E00  }
0x94: {  	[sflag:s9] =	ssyncset.done $0x0  }
0x95: {  	[sflag:s9] =	ssyncadd.s32 $0xFFFFB200  }
0x96: {  	_ =	swait.ge [sflag:s3], $0x270  }
0x97: {  	[sflag:s3] =	ssyncset.done $0x0  }
0x98: {  	[sflag:s3] =	ssyncadd.s32 $0xFFFFFD90  }
0x99: {  	[tilespmem:s5], [sflag:$0x3] =	stream.indirect.gather [hbm4b:s1+s4], $0x20, s2, s4, $0xb8;
	[tilespmem:$0xB160] =	vst v63  }
0x9a: {  	_ = 	snop  }
0x9b: {  	[tilespmem:s4], [sflag:$0x2] =	stream.linear.gather [hbm4b:s10+s2], $0x270, $0x38;
	[tilespmem:$0xB160] =	vst v63  }
0x9c: {  	_ =	swait.ge [sflag:s11], $0x4E00  }
0x9d: {  	[sflag:s11] =	ssyncset.done $0x0  }
0x9e: {  	[sflag:s11] =	ssyncadd.s32 $0xFFFFB200  }
0x9f: {  	[hbm4b:s12+s2] =	stream.linear.scatter [tilespmem:s7], [sflag:$0x5], $0x4E00, $0x38;
	[tilespmem:$0xB160] =	vst v63  }
0xa0: {  	_ =	swait.ge [sflag:s9], $0x4E00  }
0xa1: {  	[sflag:s9] =	ssyncset.done $0x0  }
0xa2: {  	[sflag:s9] =	ssyncadd.s32 $0xFFFFB200  }
0xa3: {  	_ =	swait.ge [sflag:s6], $0x270  }
0xa4: {  	[sflag:s6] =	ssyncset.done $0x0  }
0xa5: {  	[sflag:s6] =	ssyncadd.s32 $0xFFFFFD90  }
0xa6: {  	[tilespmem:s7], [sflag:$0x4] =	stream.indirect.gather [hbm4b:s1+s4], $0x20, s4, s4, $0xb8;
	[tilespmem:$0xB160] =	vst v63  }
0xa7: {  	_ = 	snop  }
0xa8: {  	[tilespmem:s2], [sflag:$0x1] =	stream.linear.gather [hbm4b:s13+s2], $0x270, $0x38;
	[tilespmem:$0xB160] =	vst v63  }
0xa9: {  	_ =	swait.ge [sflag:s8], $0x4E00  }
0xaa: {  	[sflag:s8] =	ssyncset.done $0x0  }
0xab: {  	[sflag:s8] =	ssyncadd.s32 $0xFFFFB200  }
0xac: {  	[hbm4b:s14+s2] =	stream.linear.scatter [tilespmem:s5], [sflag:$0x5], $0x4E00, $0x38;
	[tilespmem:$0xB160] =	vst v63  }
0xad: {  	_ =	swait.ge [sflag:s9], $0x4E00  }
0xae: {  	[sflag:s9] =	ssyncset.done $0x0  }
0xaf: {  	[sflag:s9] =	ssyncadd.s32 $0xFFFFB200  }
0xb0: {  	_ =	swait.ge [sflag:s3], $0x270  }
0xb1: {  	[sflag:s3] =	ssyncset.done $0x0  }
0xb2: {  	[sflag:s3] =	ssyncadd.s32 $0xFFFFFD90  }
0xb3: {  	[tilespmem:s5], [sflag:$0x3] =	stream.indirect.gather [hbm4b:s1+s4], $0x20, s2, s4, $0xb8;
	[tilespmem:$0xB160] =	vst v63  }
0xb4: {  	_ = 	snop  }
0xb5: {  	[tilespmem:s4], [sflag:$0x2] =	stream.linear.gather [hbm4b:s15+s2], $0x270, $0x38;
	[tilespmem:$0xB160] =	vst v63  }
0xb6: {  	_ =	swait.ge [sflag:s11], $0x4E00  }
0xb7: {  	[sflag:s11] =	ssyncset.done $0x0  }
0xb8: {  	[sflag:s11] =	ssyncadd.s32 $0xFFFFB200  }
0xb9: {  	[hbm4b:s16+s2] =	stream.linear.scatter [tilespmem:s7], [sflag:$0x5], $0x4E00, $0x38;
	[tilespmem:$0xB160] =	vst v63  }
0xba: {  	_ =	swait.ge [sflag:s9], $0x4E00  }
0xbb: {  	[sflag:s9] =	ssyncset.done $0x0  }
0xbc: {  	[sflag:s9] =	ssyncadd.s32 $0xFFFFB200  }
0xbd: {  	_ =	swait.ge [sflag:s6], $0x270  }
0xbe: {  	[sflag:s6] =	ssyncset.done $0x0  }
0xbf: {  	[sflag:s6] =	ssyncadd.s32 $0xFFFFFD90  }
0xc0: {  	[tilespmem:s7], [sflag:$0x4] =	stream.indirect.gather [hbm4b:s1+s4], $0x20, s4, s4, $0xb8;
	[tilespmem:$0xB160] =	vst v63  }
0xc1: {  	_ = 	snop  }
0xc2: {  	[tilespmem:s2], [sflag:$0x1] =	stream.linear.gather [hbm4b:s17+s2], $0x270, $0x38;
	[tilespmem:$0xB160] =	vst v63  }
0xc3: {  	_ =	swait.ge [sflag:s8], $0x4E00  }
0xc4: {  	[sflag:s8] =	ssyncset.done $0x0  }
0xc5: {  	[sflag:s8] =	ssyncadd.s32 $0xFFFFB200  }
0xc6: {  	[hbm4b:s18+s2] =	stream.linear.scatter [tilespmem:s5], [sflag:$0x5], $0x4E00, $0x38;
	[tilespmem:$0xB160] =	vst v63  }
0xc7: {  	_ =	swait.ge [sflag:s9], $0x4E00  }
0xc8: {  	[sflag:s9] =	ssyncset.done $0x0  }
0xc9: {  	[sflag:s9] =	ssyncadd.s32 $0xFFFFB200  }
0xca: {  	_ =	swait.ge [sflag:s3], $0x270  }
0xcb: {  	[sflag:s3] =	ssyncset.done $0x0  }
0xcc: {  	[sflag:s3] =	ssyncadd.s32 $0xFFFFFD90  }
0xcd: {  	[tilespmem:s5], [sflag:$0x3] =	stream.indirect.gather [hbm4b:s1+s4], $0x20, s2, s4, $0xb8;
	[tilespmem:$0xB160] =	vst v63  }
0xce: {  	_ = 	snop  }
0xcf: {  	[tilespmem:s4], [sflag:$0x2] =	stream.linear.gather [hbm4b:s19+s2], $0x270, $0x38;
	[tilespmem:$0xB160] =	vst v63  }
0xd0: {  	_ =	swait.ge [sflag:s11], $0x4E00  }
0xd1: {  	[sflag:s11] =	ssyncset.done $0x0  }
0xd2: {  	[sflag:s11] =	ssyncadd.s32 $0xFFFFB200  }
0xd3: {  	[hbm4b:s20+s2] =	stream.linear.scatter [tilespmem:s7], [sflag:$0x5], $0x4E00, $0x38;
	[tilespmem:$0xB160] =	vst v63  }
0xd4: {  	_ =	swait.ge [sflag:s9], $0x4E00  }
0xd5: {  	[sflag:s9] =	ssyncset.done $0x0  }
0xd6: {  	[sflag:s9] =	ssyncadd.s32 $0xFFFFB200  }
0xd7: {  	_ =	swait.ge [sflag:s6], $0x270  }
0xd8: {  	[sflag:s6] =	ssyncset.done $0x0  }
0xd9: {  	[sflag:s6] =	ssyncadd.s32 $0xFFFFFD90  }
0xda: {  	[tilespmem:s7], [sflag:$0x4] =	stream.indirect.gather [hbm4b:s1+s4], $0x20, s4, s4, $0xb8;
	[tilespmem:$0xB160] =	vst v63  }
0xdb: {  	_ =	swait.ge [sflag:s8], $0x4E00  }
0xdc: {  	[sflag:s8] =	ssyncset.done $0x0  }
0xdd: {  	[sflag:s8] =	ssyncadd.s32 $0xFFFFB200  }
0xde: {  	[hbm4b:s21+s2] =	stream.linear.scatter [tilespmem:s5], [sflag:$0x5], $0x4E00, $0x38;
	[tilespmem:$0xB160] =	vst v63  }
0xdf: {  	_ =	swait.ge [sflag:s9], $0x4E00  }
0xe0: {  	[sflag:s9] =	ssyncset.done $0x0  }
0xe1: {  	[sflag:s9] =	ssyncadd.s32 $0xFFFFB200  }
0xe2: {  	_ =	swait.ge [sflag:s11], $0x4E00  }
0xe3: {  	[sflag:s11] =	ssyncset.done $0x0  }
0xe4: {  	[sflag:s11] =	ssyncadd.s32 $0xFFFFB200  }
0xe5: {  	[hbm4b:s22+s2] =	stream.linear.scatter [tilespmem:s7], [sflag:$0x5], $0x4E00, $0x38;
	[tilespmem:$0xB160] =	vst v63  }
0xe6: {  	_ =	swait.ge [sflag:s9], $0x4E00  }
0xe7: {  	[sflag:s9] =	ssyncset.done $0x0  }
0xe8: {  	[sflag:s9] =	ssyncadd.s32 $0xFFFFB200  }
0xe9: {  	[tilespmem:s26], [sflag:$0x5] =	stream.linear.gather @!p0 [hbm4b:s23+s25], $0x80, $0x38;
	[tilespmem:$0xB160] =	vst v63  }
0xea: {  	_ =	swait.ge @!p0 [sflag:s24], $0x80  }
0xeb: {  	s0 =	sadd.s32 $0xFFFFFFFF, s0;
	[sflag:s24] =	ssyncset.done @!p0 $0x0  }
0xec: {  	p1 =	sne.s32 s0, $0x0;
	s28 =	simm.s32 @!p0 $0x80;
	[sflag:s24] =	ssyncadd.s32 @!p0 $0xFFFFFF80  }
0xed: {  	[tilespmem:s29], [sflag:$0x3] =	stream.indirect.gather @!p0 [hbm4b:s1+s28], $0x20, s26, s28, $0xb8;
	[tilespmem:$0xB160] =	vst v63  }
.Ltmp1:
0xee: {  	_ =	swait.ge @!p0 [sflag:s30], $0x1000;
	(pc) =	sbr.rel @p1 .LBB2_1-.Ltmp1, $4  }
0xef: {  	[sflag:s30] =	ssyncset.done @!p0 $0x0  }
0xf0: {  	[sflag:s30] =	ssyncadd.s32 @!p0 $0xFFFFF000  }
0xf1: {  	[hbm4b:s31+s25] =	stream.linear.scatter @!p0 [tilespmem:s29], [sflag:$0x5], $0x1000, $0x38;
	[tilespmem:$0xB160] =	vst v63  }
0xf2: {  	_ =	swait.ge @!p0 [sflag:s24], $0x1000  }
.LBB2_2:
0xf3: {  	[sflag:s24] =	ssyncset.done @!p0 $0x0  }
0xf4: {  	[sflag:s24] =	ssyncadd.s32 @!p0 $0xFFFFF000  }
0xf5: {  	_ =	sfence.sel $0x180000  }
0xf6: {  	[bflag:$0x0] =	sbarrier.arrive $0xFFFF  }
0xf7: {  	_ =	strace $0x90000047  }
0xf8: {  	[bflag:$0x2] =	sbarrier.arrive $0xFFFF  }
0xf9: {  	s0 =	rddreg [dreg:$0x2]  }
0xfa: {  	s0 =	sadd.s32 @!p0 $0x100000, s0  }
0xfb: {  	[sflag:s0] =	ssyncadd.tile.s32 @!p0 $0x1;
	_ =	shalt  }
.Lfunc_end2:
_tile_overlayer_lowered:
.L_overlay_start_2:
0xfc: {  	(tag) =	ssettag $0x2  }
0xfd: {  	s0 =	rddreg [dreg:$0x0];
	s2 =	stileid.u32  }
0xfe: {  	s1 =	rddreg [dreg:$0x1];
	p0 =	sne.s32 s2, $0x0  }
0xff: {  	s3 =	rddreg [dreg:$0x2];
	[bflag:$0x3] =	sbarrier.arrive $0xFFFF;
	s2 =	simm.s32 @!p0 $0x1C05  }
0x100: {  	[timem:s3], [sflag:s2] =	dma.local @!p0 [hbm:s0], s1  }
0x101: {  	s0 =	simm.s32 @!p0 $0x5  }
0x102: {  	_ =	swait.ge @!p0 [sflag:s0], s1  }
0x103: {  	s1 =	ssub.s32 @!p0 $0x0, s1;
	[sflag:s0] =	ssyncset.done @!p0 $0x0  }
0x104: {  	[sflag:s0] =	ssyncadd.s32 @!p0 s1  }
0x105: {  	[bflag:$0x3] =	sbarrier.arrive $0xFFFF  }
0x106: {  	_ =	shalt  }

</sc_bundles>
